<compile_context>
chip_gen: v7x
topology: tpu7x:2x2x1
jax: 0.10.2.dev20260603
libtpu: 0.0.44.dev20260713+nightly
codegen_flags: <defaults>
</compile_context>

<pallas_src>
import functools

import jax
import jax.numpy as jnp
from jax.experimental import pallas as pl
from jax.experimental.pallas import tpu as pltpu
from jax.experimental.pallas import tpu_sc as plsc

B, S, D = 4, 8192, 1024
H = D // 2
K = 40
BLK = 1024
NBLK = (B * S) // BLK
CH = 1024
NCH = CH // 16
WPB = S // CH
MCH = (WPB * K) // 16
BIGI = 1 << 30


def _scorer_body(x_ref, w1_ref, b1_ref, g_ref, be_ref, w2_ref, b2_ref, out_ref):
    x = x_ref[0]
    h = jnp.dot(x, w1_ref[...], preferred_element_type=jnp.float32,
                precision=jax.lax.Precision.DEFAULT) + b1_ref[...]
    mu = jnp.mean(h, axis=1, keepdims=True)
    var = jnp.mean((h - mu) ** 2, axis=1, keepdims=True)
    hn = (h - mu) / jnp.sqrt(var + 1e-5) * g_ref[...] + be_ref[...]
    ge = hn * 0.5 * (1.0 + jax.lax.erf(hn * jnp.float32(0.7071067811865476)))
    logit = jnp.dot(ge, w2_ref[...], preferred_element_type=jnp.float32,
                    precision=jax.lax.Precision.DEFAULT) + b2_ref[...]
    out_ref[0] = jax.nn.sigmoid(logit)


def _sc_topk_body(scores_hbm, feat_hbm, idx_hbm, tok_hbm,
                  sv, lv, li, cand_v, cand_i, mv, mi, gi_v, oi_v, rows_v,
                  sem):
    cid = jax.lax.axis_index("c")
    sid = jax.lax.axis_index("s")
    b = cid * 2 + sid // WPB
    w = sid % WPB
    base = b * S + w * CH

    lane = jax.lax.iota(jnp.int32, 16)
    ones = jnp.full((16,), 1, jnp.int32)
    lane0 = lane == 0

    pltpu.sync_copy(scores_hbm.at[pl.ds(base, CH)], sv)

    def select_local(j, carry):
        def scan_chunk(i, c):
            cm, ci = c
            v = sv[pl.ds(i * 16, 16)]
            ii = lane + i * 16
            better = v > cm
            return (jnp.where(better, v, cm), jnp.where(better, ii, ci))
        cm, ci = jax.lax.fori_loop(
            0, NCH, scan_chunk,
            (jnp.full((16,), -2.0, jnp.float32), jnp.zeros((16,), jnp.int32)))
        m = jnp.max(cm)
        loc = jnp.min(jnp.where(cm == m, ci, BIGI))
        plsc.store_scatter(sv, [loc * ones],
                           jnp.full((16,), -1.0, jnp.float32), mask=lane0)
        plsc.store_scatter(lv, [j * ones],
                           jnp.full((16,), 1.0, jnp.float32) * m, mask=lane0)
        plsc.store_scatter(li, [j * ones], (base + loc) * ones, mask=lane0)
        return carry
    jax.lax.fori_loop(0, K, select_local, 0)

    pltpu.sync_copy(lv, cand_v.at[pl.ds(sid * K, K)])
    pltpu.sync_copy(li, cand_i.at[pl.ds(sid * K, K)])
    plsc.subcore_barrier()

    @pl.when(w == 0)
    def _merge():
        pltpu.sync_copy(cand_v.at[pl.ds(sid * K, WPB * K)], mv)
        pltpu.sync_copy(cand_i.at[pl.ds(sid * K, WPB * K)], mi)

        def select_glob(j, carry):
            def scan_chunk(i, c):
                cv, cidx, cpos = c
                v = mv[pl.ds(i * 16, 16)]
                ii = mi[pl.ds(i * 16, 16)]
                pos = lane + i * 16
                better = (v > cv) | ((v == cv) & (ii < cidx))
                return (jnp.where(better, v, cv),
                        jnp.where(better, ii, cidx),
                        jnp.where(better, pos, cpos))
            cv, cidx, cpos = jax.lax.fori_loop(
                0, MCH, scan_chunk,
                (jnp.full((16,), -2.0, jnp.float32),
                 jnp.full((16,), BIGI, jnp.int32),
                 jnp.zeros((16,), jnp.int32)))
            m = jnp.max(cv)
            hit = cv == m
            g = jnp.min(jnp.where(hit, cidx, BIGI))
            p = jnp.min(jnp.where(hit & (cidx == g), cpos, BIGI))
            plsc.store_scatter(mv, [p * ones],
                               jnp.full((16,), -1.0, jnp.float32), mask=lane0)
            plsc.store_scatter(gi_v, [j * ones], g * ones, mask=lane0)
            plsc.store_scatter(oi_v, [j * ones], (g - b * S) * ones,
                               mask=lane0)
            return carry
        jax.lax.fori_loop(0, K, select_glob, 0)

        pltpu.sync_copy(oi_v, idx_hbm.at[b])
        pltpu.async_copy(feat_hbm.at[gi_v], rows_v, sem).wait()
        pltpu.sync_copy(rows_v, tok_hbm.at[b])


@jax.jit
def kernel(features, W1, b1, gamma, beta, W2, b2):
    xf = features.reshape(NBLK, BLK, D)
    scores = pl.pallas_call(
        _scorer_body,
        grid=(NBLK,),
        in_specs=[
            pl.BlockSpec((1, BLK, D), lambda s: (s, 0, 0)),
            pl.BlockSpec((D, H), lambda s: (0, 0)),
            pl.BlockSpec((1, H), lambda s: (0, 0)),
            pl.BlockSpec((1, H), lambda s: (0, 0)),
            pl.BlockSpec((1, H), lambda s: (0, 0)),
            pl.BlockSpec((H, 1), lambda s: (0, 0)),
            pl.BlockSpec((1, 1), lambda s: (0, 0)),
        ],
        out_specs=pl.BlockSpec((1, BLK, 1), lambda s: (s, 0, 0)),
        out_shape=jax.ShapeDtypeStruct((NBLK, BLK, 1), jnp.float32),
    )(xf, W1, b1.reshape(1, H), gamma.reshape(1, H), beta.reshape(1, H),
      W2, b2.reshape(1, 1))

    sc_topk = pl.kernel(
        _sc_topk_body,
        out_type=[jax.ShapeDtypeStruct((B, K), jnp.int32),
                  jax.ShapeDtypeStruct((B, K, D), jnp.float32)],
        mesh=plsc.VectorSubcoreMesh(core_axis_name="c", subcore_axis_name="s"),
        compiler_params=pltpu.CompilerParams(needs_layout_passes=False),
        scratch_types=[
            pltpu.VMEM((CH,), jnp.float32),
            pltpu.VMEM((K,), jnp.float32),
            pltpu.VMEM((K,), jnp.int32),
            pltpu.VMEM_SHARED((16 * K,), jnp.float32),
            pltpu.VMEM_SHARED((16 * K,), jnp.int32),
            pltpu.VMEM((WPB * K,), jnp.float32),
            pltpu.VMEM((WPB * K,), jnp.int32),
            pltpu.VMEM((K,), jnp.int32),
            pltpu.VMEM((K,), jnp.int32),
            pltpu.VMEM((K, D), jnp.float32),
            pltpu.SemaphoreType.DMA,
        ],
    )
    indices, tokens = sc_topk(scores.reshape(B * S), features.reshape(B * S, D))
    return (tokens, indices)

# --- scband reference (transcript-rebuilt; emitter-appended) ---
"""Pipeline reference for scband-fixed-safety-token-selector-14791867367548 (READ-ONLY COPY).

The authoritative reference and input builder live on the scoring server;
editing this copy changes nothing except your own understanding.
"""

import jax, jax.numpy as jnp
import numpy as np


def setup_inputs(seed: int = 0) -> dict:
    key = jax.random.key(seed)
    ks = jax.random.split(key, 4)
    B, S, D = 4, 8192, 1024
    H = D // 2
    features = jax.random.normal(ks[0], (B, S, D), dtype=jnp.float32)
    W1 = jax.random.normal(ks[1], (D, H), dtype=jnp.float32) * (1.0 / np.sqrt(D))
    b1 = jnp.zeros((H,), dtype=jnp.float32)
    gamma = jnp.ones((H,), dtype=jnp.float32)
    beta = jnp.zeros((H,), dtype=jnp.float32)
    W2 = jax.random.normal(ks[2], (H, 1), dtype=jnp.float32) * (1.0 / np.sqrt(H))
    b2 = jnp.zeros((1,), dtype=jnp.float32)
    return {"features": features, "W1": W1, "b1": b1, "gamma": gamma, "beta": beta, "W2": W2, "b2": b2}


def reference(features, W1, b1, gamma, beta, W2, b2):
    # importance_network: Linear -> LayerNorm -> GELU -> Dropout(eval=identity) -> Linear -> Sigmoid
    h = features @ W1 + b1
    mu = jnp.mean(h, axis=-1, keepdims=True)
    var = jnp.var(h, axis=-1, keepdims=True)
    h = (h - mu) / jnp.sqrt(var + 1e-5) * gamma + beta
    h = jax.nn.gelu(h, approximate=False)
    scores = jax.nn.sigmoid(h @ W2 + b2)[..., 0]  # [B, S]
    k = 40  # min(safety_token_count=40, seq_len=8192)
    _, indices = jax.lax.top_k(scores, k)  # [B, k], sorted descending like torch.topk
    safety_tokens = jnp.take_along_axis(features, indices[:, :, None], axis=1)  # [B, k, D]
    return (safety_tokens, indices)

if __name__ == "__main__":
    import jax
    _d = setup_inputs()
    print(jax.jit(kernel)(*tuple(_d.values())))

</pallas_src>

<mosaic_0001>
#map = affine_map<(d0, d1) -> (0)>
#map1 = affine_map<(d0, d1) -> (0, 0)>
#map2 = affine_map<(d0, d1) -> (0, 0, 0)>
module attributes {stable_mosaic.version = 14 : i64} {
  func.func @_sc_topk_body(%arg0: i32, %arg1: i32, %arg2: memref<32768xf32, #tpu.memory_space<hbm>>, %arg3: memref<32768x1024xf32, #tpu.memory_space<hbm>>, %arg4: memref<4x40xi32, #tpu.memory_space<hbm>>, %arg5: memref<4x40x1024xf32, #tpu.memory_space<hbm>>, %arg6: memref<1024xf32, #tpu.memory_space<vmem>>, %arg7: memref<40xf32, #tpu.memory_space<vmem>>, %arg8: memref<40xi32, #tpu.memory_space<vmem>>, %arg9: memref<640xf32, #tpu.memory_space<vmem_shared>>, %arg10: memref<640xi32, #tpu.memory_space<vmem_shared>>, %arg11: memref<320xf32, #tpu.memory_space<vmem>>, %arg12: memref<320xi32, #tpu.memory_space<vmem>>, %arg13: memref<40xi32, #tpu.memory_space<vmem>>, %arg14: memref<40xi32, #tpu.memory_space<vmem>>, %arg15: memref<40x1024xf32, #tpu.memory_space<vmem>>, %arg16: memref<!tpu.dma_semaphore, #tpu.memory_space<semaphore_mem>>) attributes {dimension_semantics = [#tpu.dimension_semantics<core_parallel>, #tpu.dimension_semantics<subcore_parallel>], iteration_bounds = array<i64: 2, 16>, scalar_prefetch = 0 : i64, scratch_operands = 11 : i64, tpu.core_type = #tpu.core_type<sc_vector_subcore>, window_params = [{transform_indices = #map}, {transform_indices = #map1}, {transform_indices = #map1}, {transform_indices = #map2}]} {
    %mul3A = arith.constant 2 : i32
    %mul3A_0 = arith.muli %arg0, %mul3A : i32
    %jit3A = arith.constant 8 : i32
    %div3A = arith.divsi %arg1, %jit3A : i32
    %sign3A = arith.constant 0 : i32
    %sign3A_1 = arith.cmpi sgt, %arg1, %sign3A : i32
    %sign3A_2 = arith.extui %sign3A_1 : i1 to i32
    %sign3A_3 = arith.constant 0 : i32
    %sign3A_4 = arith.cmpi slt, %arg1, %sign3A_3 : i32
    %sign3A_5 = arith.extui %sign3A_4 : i1 to i32
    %sign3A_6 = arith.subi %sign3A_2, %sign3A_5 : i32
    %sign3A_7 = arith.constant 0 : i32
    %sign3A_8 = arith.cmpi sgt, %jit3A, %sign3A_7 : i32
    %sign3A_9 = arith.extui %sign3A_8 : i1 to i32
    %sign3A_10 = arith.constant 0 : i32
    %sign3A_11 = arith.cmpi slt, %jit3A, %sign3A_10 : i32
    %sign3A_12 = arith.extui %sign3A_11 : i1 to i32
    %sign3A_13 = arith.subi %sign3A_9, %sign3A_12 : i32
    %ne3A = arith.cmpi ne, %sign3A_6, %sign3A_13 : i32
    %rem3A = arith.remsi %arg1, %jit3A : i32
    %ne3A_14 = arith.constant 0 : i32
    %ne3A_15 = arith.cmpi ne, %rem3A, %ne3A_14 : i32
    %and3A = arith.andi %ne3A, %ne3A_15 : i1
    %sub3A = arith.constant 1 : i32
    %sub3A_16 = arith.subi %div3A, %sub3A : i32
    %select_n3A = arith.select %and3A, %sub3A_16, %div3A : i32
    %add3A = arith.addi %mul3A_0, %select_n3A : i32
    %jit3A_17 = arith.constant 8 : i32
    %eq3A = arith.constant 0 : i32
    %eq3A_18 = arith.cmpi eq, %jit3A_17, %eq3A : i32
    %jit3A_19 = arith.constant 1 : i32
    %select_n3A_20 = arith.select %eq3A_18, %jit3A_19, %jit3A_17 : i32
    %rem3A_21 = arith.remsi %arg1, %select_n3A_20 : i32
    %ne3A_22 = arith.constant 0 : i32
    %ne3A_23 = arith.cmpi ne, %rem3A_21, %ne3A_22 : i32
    %lt3A = arith.constant 0 : i32
    %lt3A_24 = arith.cmpi slt, %rem3A_21, %lt3A : i32
    %lt3A_25 = arith.constant 0 : i32
    %lt3A_26 = arith.cmpi slt, %select_n3A_20, %lt3A_25 : i32
    %ne3A_27 = arith.xori %lt3A_24, %lt3A_26 : i1
    %and3A_28 = arith.andi %ne3A_27, %ne3A_23 : i1
    %add3A_29 = arith.addi %rem3A_21, %select_n3A_20 : i32
    %select_n3A_30 = arith.select %and3A_28, %add3A_29, %rem3A_21 : i32
    %mul3A_31 = arith.constant 8192 : i32
    %mul3A_32 = arith.muli %add3A, %mul3A_31 : i32
    %mul3A_33 = arith.constant 1024 : i32
    %mul3A_34 = arith.muli %select_n3A_30, %mul3A_33 : i32
    %add3A_35 = arith.addi %mul3A_32, %mul3A_34 : i32
    %iota3A = tpu.iota {dimensions = array<i32: 0>} : vector<16xi32>
    %broadcast_in_dim3A = arith.constant 1 : i32
    %broadcast_in_dim3A_36 = vector.broadcast %broadcast_in_dim3A : i32 to vector<16xi32>
    %eq3A_37 = arith.constant 0 : i32
    %eq3A_38 = vector.broadcast %eq3A_37 : i32 to vector<16xi32>
    %eq3A_39 = arith.cmpi eq, %iota3A, %eq3A_38 : vector<16xi32>
    "tpu.region"() ({
      %run_scoped3A = tpu.sem_alloc : memref<!tpu.dma_semaphore, #tpu.memory_space<semaphore_mem>>
      %dma_start3A = tpu.memref_slice %arg2[%add3A_35] : memref<32768xf32, #tpu.memory_space<hbm>> -> memref<1024xf32, #tpu.memory_space<hbm>>
      %dma_start3A_52 = tpu.memref_slice %arg2[%add3A_35] : memref<32768xf32, #tpu.memory_space<hbm>> -> memref<1024xf32, #tpu.memory_space<hbm>>
      tpu.enqueue_dma source(%dma_start3A_52 : memref<1024xf32, #tpu.memory_space<hbm>>) target(%arg6 : memref<1024xf32, #tpu.memory_space<vmem>>) target_semaphore(%run_scoped3A : memref<!tpu.dma_semaphore, #tpu.memory_space<semaphore_mem>>)
      %dma_wait3A = tpu.memref_slice %arg2[%add3A_35] : memref<32768xf32, #tpu.memory_space<hbm>> -> memref<1024xf32, #tpu.memory_space<hbm>>
      %dma_wait3A_53 = tpu.memref_slice %arg2[%add3A_35] : memref<32768xf32, #tpu.memory_space<hbm>> -> memref<1024xf32, #tpu.memory_space<hbm>>
      tpu.wait_dma2 semaphore(%run_scoped3A : memref<!tpu.dma_semaphore, #tpu.memory_space<semaphore_mem>>) src(%dma_wait3A_53 : memref<1024xf32, #tpu.memory_space<hbm>>) dst(%arg6 : memref<1024xf32, #tpu.memory_space<vmem>>)
      tpu.yield
    }) : () -> ()
    %scan3A = arith.constant 0 : i32
    %scan3A_40 = arith.constant 0 : i32
    %scan3A_41 = arith.constant 40 : i32
    %scan3A_42 = arith.addi %scan3A_40, %scan3A_41 : i32
    %scan3A_43 = arith.constant 1 : i32
    scf.for %scan3A_52 = %scan3A_40 to %scan3A_42 step %scan3A_43  : i32 {
      %broadcast_in_dim3A_53 = arith.constant -2.000000e+00 : f32
      %broadcast_in_dim3A_54 = vector.broadcast %broadcast_in_dim3A_53 : f32 to vector<16xf32>
      %broadcast_in_dim3A_55 = arith.constant 0 : i32
      %broadcast_in_dim3A_56 = vector.broadcast %broadcast_in_dim3A_55 : i32 to vector<16xi32>
      %scan3A_57 = arith.constant 0 : i32
      %scan3A_58 = arith.constant 64 : i32
      %scan3A_59 = arith.addi %scan3A_57, %scan3A_58 : i32
      %scan3A_60 = arith.constant 1 : i32
      %scan3A_61:2 = scf.for %scan3A_93 = %scan3A_57 to %scan3A_59 step %scan3A_60 iter_args(%scan3A_94 = %broadcast_in_dim3A_54, %scan3A_95 = %broadcast_in_dim3A_56) -> (vector<16xf32>, vector<16xi32>)  : i32 {
        %mul3A_96 = arith.constant 16 : i32
        %mul3A_97 = arith.muli %scan3A_93, %mul3A_96 : i32
        %get3A = arith.index_cast %mul3A_97 : i32 to index
        %get3A_98 = tpu.vector_load %arg6[%get3A] {strides = array<i32>} : memref<1024xf32, #tpu.memory_space<vmem>>, vector<16xf32>,
        %mul3A_99 = arith.constant 16 : i32
        %mul3A_100 = arith.muli %scan3A_93, %mul3A_99 : i32
        %add3A_101 = vector.broadcast %mul3A_100 : i32 to vector<16xi32>
        %add3A_102 = arith.addi %iota3A, %add3A_101 : vector<16xi32>
        %gt3A = arith.cmpf ogt, %get3A_98, %scan3A_94 : vector<16xf32>
        %select_n3A_103 = arith.select %gt3A, %get3A_98, %scan3A_94 : vector<16xi1>, vector<16xf32>
        %select_n3A_104 = arith.select %gt3A, %add3A_102, %scan3A_95 : vector<16xi1>, vector<16xi32>
        scf.yield %select_n3A_103, %select_n3A_104 : vector<16xf32>, vector<16xi32>
      }
      %scan3A_62 = arith.constant 64 : i32
      %reduce_max3A = arith.constant true
      %reduce_max3A_63 = vector.broadcast %reduce_max3A : i1 to vector<16xi1>
      %reduce_max3A_64 = tpu.scan <max>, %scan3A_61#0 masked %reduce_max3A_63 : vector<16xf32>, vector<16xi1> -> vector<16xf32>
      %reduce_max3A_65 = vector.extract %reduce_max3A_64[15] : f32 from vector<16xf32>
      %eq3A_66 = vector.broadcast %reduce_max3A_65 : f32 to vector<16xf32>
      %eq3A_67 = arith.cmpf oeq, %scan3A_61#0, %eq3A_66 : vector<16xf32>
      %jit3A_68 = arith.constant 1073741824 : i32
      %broadcast_in_dim3A_69 = vector.broadcast %jit3A_68 : i32 to vector<16xi32>
      %select_n3A_70 = arith.select %eq3A_67, %scan3A_61#1, %broadcast_in_dim3A_69 : vector<16xi1>, vector<16xi32>
      %reduce_min3A = arith.constant true
      %reduce_min3A_71 = vector.broadcast %reduce_min3A : i1 to vector<16xi1>
      %reduce_min3A_72 = arith.constant -2147483648 : i32
      %reduce_min3A_73 = vector.broadcast %reduce_min3A_72 : i32 to vector<16xi32>
      %reduce_min3A_74 = arith.xori %select_n3A_70, %reduce_min3A_73 : vector<16xi32>
      %reduce_min3A_75 = tpu.scan <min>, %reduce_min3A_74 masked %reduce_min3A_71 : vector<16xi32>, vector<16xi1> -> vector<16xi32>
      %reduce_min3A_76 = arith.xori %reduce_min3A_75, %reduce_min3A_73 : vector<16xi32>
      %reduce_min3A_77 = vector.extract %reduce_min3A_76[15] : i32 from vector<16xi32>
      %mul3A_78 = vector.broadcast %reduce_min3A_77 : i32 to vector<16xi32>
      %mul3A_79 = arith.muli %mul3A_78, %broadcast_in_dim3A_36 : vector<16xi32>
      %broadcast_in_dim3A_80 = arith.constant -1.000000e+00 : f32
      %broadcast_in_dim3A_81 = vector.broadcast %broadcast_in_dim3A_80 : f32 to vector<16xf32>
      tpu.vector_store_idx %arg6[%mul3A_79], %broadcast_in_dim3A_81 masked %eq3A_39 : memref<1024xf32, #tpu.memory_space<vmem>>[vector<16xi32>], vector<16xf32>, vector<16xi1>
      %mul3A_82 = vector.broadcast %scan3A_52 : i32 to vector<16xi32>
      %mul3A_83 = arith.muli %mul3A_82, %broadcast_in_dim3A_36 : vector<16xi32>
      %broadcast_in_dim3A_84 = arith.constant 1.000000e+00 : f32
      %broadcast_in_dim3A_85 = vector.broadcast %broadcast_in_dim3A_84 : f32 to vector<16xf32>
      %mul3A_86 = vector.broadcast %reduce_max3A_65 : f32 to vector<16xf32>
      %mul3A_87 = arith.mulf %broadcast_in_dim3A_85, %mul3A_86 : vector<16xf32>
      tpu.vector_store_idx %arg7[%mul3A_83], %mul3A_87 masked %eq3A_39 : memref<40xf32, #tpu.memory_space<vmem>>[vector<16xi32>], vector<16xf32>, vector<16xi1>
      %mul3A_88 = vector.broadcast %scan3A_52 : i32 to vector<16xi32>
      %mul3A_89 = arith.muli %mul3A_88, %broadcast_in_dim3A_36 : vector<16xi32>
      %add3A_90 = arith.addi %add3A_35, %reduce_min3A_77 : i32
      %mul3A_91 = vector.broadcast %add3A_90 : i32 to vector<16xi32>
      %mul3A_92 = arith.muli %mul3A_91, %broadcast_in_dim3A_36 : vector<16xi32>
      tpu.vector_store_idx %arg8[%mul3A_89], %mul3A_92 masked %eq3A_39 : memref<40xi32, #tpu.memory_space<vmem>>[vector<16xi32>], vector<16xi32>, vector<16xi1>
    }
    %scan3A_44 = arith.constant 40 : i32
    %mul3A_45 = arith.constant 40 : i32
    %mul3A_46 = arith.muli %arg1, %mul3A_45 : i32
    "tpu.region"() ({
      %run_scoped3A = tpu.sem_alloc : memref<!tpu.dma_semaphore, #tpu.memory_space<semaphore_mem>>
      %dma_start3A = tpu.memref_slice %arg9[%mul3A_46] : memref<640xf32, #tpu.memory_space<vmem_shared>> -> memref<40xf32, #tpu.memory_space<vmem_shared>>
      %dma_start3A_52 = tpu.memref_slice %arg9[%mul3A_46] : memref<640xf32, #tpu.memory_space<vmem_shared>> -> memref<40xf32, #tpu.memory_space<vmem_shared>>
      tpu.enqueue_dma source(%arg7 : memref<40xf32, #tpu.memory_space<vmem>>) target(%dma_start3A_52 : memref<40xf32, #tpu.memory_space<vmem_shared>>) target_semaphore(%run_scoped3A : memref<!tpu.dma_semaphore, #tpu.memory_space<semaphore_mem>>)
      %dma_wait3A = tpu.memref_slice %arg9[%mul3A_46] : memref<640xf32, #tpu.memory_space<vmem_shared>> -> memref<40xf32, #tpu.memory_space<vmem_shared>>
      %dma_wait3A_53 = tpu.memref_slice %arg9[%mul3A_46] : memref<640xf32, #tpu.memory_space<vmem_shared>> -> memref<40xf32, #tpu.memory_space<vmem_shared>>
      tpu.wait_dma2 semaphore(%run_scoped3A : memref<!tpu.dma_semaphore, #tpu.memory_space<semaphore_mem>>) src(%arg7 : memref<40xf32, #tpu.memory_space<vmem>>) dst(%dma_wait3A_53 : memref<40xf32, #tpu.memory_space<vmem_shared>>)
      tpu.yield
    }) : () -> ()
    %mul3A_47 = arith.constant 40 : i32
    %mul3A_48 = arith.muli %arg1, %mul3A_47 : i32
    "tpu.region"() ({
      %run_scoped3A = tpu.sem_alloc : memref<!tpu.dma_semaphore, #tpu.memory_space<semaphore_mem>>
      %dma_start3A = tpu.memref_slice %arg10[%mul3A_48] : memref<640xi32, #tpu.memory_space<vmem_shared>> -> memref<40xi32, #tpu.memory_space<vmem_shared>>
      %dma_start3A_52 = tpu.memref_slice %arg10[%mul3A_48] : memref<640xi32, #tpu.memory_space<vmem_shared>> -> memref<40xi32, #tpu.memory_space<vmem_shared>>
      tpu.enqueue_dma source(%arg8 : memref<40xi32, #tpu.memory_space<vmem>>) target(%dma_start3A_52 : memref<40xi32, #tpu.memory_space<vmem_shared>>) target_semaphore(%run_scoped3A : memref<!tpu.dma_semaphore, #tpu.memory_space<semaphore_mem>>)
      %dma_wait3A = tpu.memref_slice %arg10[%mul3A_48] : memref<640xi32, #tpu.memory_space<vmem_shared>> -> memref<40xi32, #tpu.memory_space<vmem_shared>>
      %dma_wait3A_53 = tpu.memref_slice %arg10[%mul3A_48] : memref<640xi32, #tpu.memory_space<vmem_shared>> -> memref<40xi32, #tpu.memory_space<vmem_shared>>
      tpu.wait_dma2 semaphore(%run_scoped3A : memref<!tpu.dma_semaphore, #tpu.memory_space<semaphore_mem>>) src(%arg8 : memref<40xi32, #tpu.memory_space<vmem>>) dst(%dma_wait3A_53 : memref<40xi32, #tpu.memory_space<vmem_shared>>)
      tpu.yield
    }) : () -> ()
    %barrier3A = arith.constant 0 : index
    tpu.barrier barrier_id(%barrier3A)
    %eq3A_49 = arith.constant 0 : i32
    %eq3A_50 = arith.cmpi eq, %select_n3A_30, %eq3A_49 : i32
    %convert_element_type3A = arith.extui %eq3A_50 : i1 to i32
    %cond3A = arith.constant 0 : i32
    %cond3A_51 = arith.cmpi ne, %convert_element_type3A, %cond3A : i32
    scf.if %cond3A_51 {
      %mul3A_52 = arith.constant 40 : i32
      %mul3A_53 = arith.muli %arg1, %mul3A_52 : i32
      "tpu.region"() ({
        %run_scoped3A = tpu.sem_alloc : memref<!tpu.dma_semaphore, #tpu.memory_space<semaphore_mem>>
        %dma_start3A_66 = tpu.memref_slice %arg9[%mul3A_53] : memref<640xf32, #tpu.memory_space<vmem_shared>> -> memref<320xf32, #tpu.memory_space<vmem_shared>>
        %dma_start3A_67 = tpu.memref_slice %arg9[%mul3A_53] : memref<640xf32, #tpu.memory_space<vmem_shared>> -> memref<320xf32, #tpu.memory_space<vmem_shared>>
        tpu.enqueue_dma source(%dma_start3A_67 : memref<320xf32, #tpu.memory_space<vmem_shared>>) target(%arg11 : memref<320xf32, #tpu.memory_space<vmem>>) target_semaphore(%run_scoped3A : memref<!tpu.dma_semaphore, #tpu.memory_space<semaphore_mem>>)
        %dma_wait3A_68 = tpu.memref_slice %arg9[%mul3A_53] : memref<640xf32, #tpu.memory_space<vmem_shared>> -> memref<320xf32, #tpu.memory_space<vmem_shared>>
        %dma_wait3A_69 = tpu.memref_slice %arg9[%mul3A_53] : memref<640xf32, #tpu.memory_space<vmem_shared>> -> memref<320xf32, #tpu.memory_space<vmem_shared>>
        tpu.wait_dma2 semaphore(%run_scoped3A : memref<!tpu.dma_semaphore, #tpu.memory_space<semaphore_mem>>) src(%dma_wait3A_69 : memref<320xf32, #tpu.memory_space<vmem_shared>>) dst(%arg11 : memref<320xf32, #tpu.memory_space<vmem>>)
        tpu.yield
      }) : () -> ()
      %mul3A_54 = arith.constant 40 : i32
      %mul3A_55 = arith.muli %arg1, %mul3A_54 : i32
      "tpu.region"() ({
        %run_scoped3A = tpu.sem_alloc : memref<!tpu.dma_semaphore, #tpu.memory_space<semaphore_mem>>
        %dma_start3A_66 = tpu.memref_slice %arg10[%mul3A_55] : memref<640xi32, #tpu.memory_space<vmem_shared>> -> memref<320xi32, #tpu.memory_space<vmem_shared>>
        %dma_start3A_67 = tpu.memref_slice %arg10[%mul3A_55] : memref<640xi32, #tpu.memory_space<vmem_shared>> -> memref<320xi32, #tpu.memory_space<vmem_shared>>
        tpu.enqueue_dma source(%dma_start3A_67 : memref<320xi32, #tpu.memory_space<vmem_shared>>) target(%arg12 : memref<320xi32, #tpu.memory_space<vmem>>) target_semaphore(%run_scoped3A : memref<!tpu.dma_semaphore, #tpu.memory_space<semaphore_mem>>)
        %dma_wait3A_68 = tpu.memref_slice %arg10[%mul3A_55] : memref<640xi32, #tpu.memory_space<vmem_shared>> -> memref<320xi32, #tpu.memory_space<vmem_shared>>
        %dma_wait3A_69 = tpu.memref_slice %arg10[%mul3A_55] : memref<640xi32, #tpu.memory_space<vmem_shared>> -> memref<320xi32, #tpu.memory_space<vmem_shared>>
        tpu.wait_dma2 semaphore(%run_scoped3A : memref<!tpu.dma_semaphore, #tpu.memory_space<semaphore_mem>>) src(%dma_wait3A_69 : memref<320xi32, #tpu.memory_space<vmem_shared>>) dst(%arg12 : memref<320xi32, #tpu.memory_space<vmem>>)
        tpu.yield
      }) : () -> ()
      %scan3A_56 = arith.constant 0 : i32
      %scan3A_57 = arith.constant 0 : i32
      %scan3A_58 = arith.constant 40 : i32
      %scan3A_59 = arith.addi %scan3A_57, %scan3A_58 : i32
      %scan3A_60 = arith.constant 1 : i32
      scf.for %scan3A_66 = %scan3A_57 to %scan3A_59 step %scan3A_60  : i32 {
        %broadcast_in_dim3A_67 = arith.constant -2.000000e+00 : f32
        %broadcast_in_dim3A_68 = vector.broadcast %broadcast_in_dim3A_67 : f32 to vector<16xf32>
        %broadcast_in_dim3A_69 = arith.constant 1073741824 : i32
        %broadcast_in_dim3A_70 = vector.broadcast %broadcast_in_dim3A_69 : i32 to vector<16xi32>
        %broadcast_in_dim3A_71 = arith.constant 0 : i32
        %broadcast_in_dim3A_72 = vector.broadcast %broadcast_in_dim3A_71 : i32 to vector<16xi32>
        %scan3A_73 = arith.constant 0 : i32
        %scan3A_74 = arith.constant 20 : i32
        %scan3A_75 = arith.addi %scan3A_73, %scan3A_74 : i32
        %scan3A_76 = arith.constant 1 : i32
        %scan3A_77:3 = scf.for %scan3A_123 = %scan3A_73 to %scan3A_75 step %scan3A_76 iter_args(%scan3A_124 = %broadcast_in_dim3A_68, %scan3A_125 = %broadcast_in_dim3A_70, %scan3A_126 = %broadcast_in_dim3A_72) -> (vector<16xf32>, vector<16xi32>, vector<16xi32>)  : i32 {
          %mul3A_127 = arith.constant 16 : i32
          %mul3A_128 = arith.muli %scan3A_123, %mul3A_127 : i32
          %get3A = arith.index_cast %mul3A_128 : i32 to index
          %get3A_129 = tpu.vector_load %arg11[%get3A] {strides = array<i32>} : memref<320xf32, #tpu.memory_space<vmem>>, vector<16xf32>,
          %mul3A_130 = arith.constant 16 : i32
          %mul3A_131 = arith.muli %scan3A_123, %mul3A_130 : i32
          %get3A_132 = arith.index_cast %mul3A_131 : i32 to index
          %get3A_133 = tpu.vector_load %arg12[%get3A_132] {strides = array<i32>} : memref<320xi32, #tpu.memory_space<vmem>>, vector<16xi32>,
          %mul3A_134 = arith.constant 16 : i32
          %mul3A_135 = arith.muli %scan3A_123, %mul3A_134 : i32
          %add3A_136 = vector.broadcast %mul3A_135 : i32 to vector<16xi32>
          %add3A_137 = arith.addi %iota3A, %add3A_136 : vector<16xi32>
          %gt3A = arith.cmpf ogt, %get3A_129, %scan3A_124 : vector<16xf32>
          %eq3A_138 = arith.cmpf oeq, %get3A_129, %scan3A_124 : vector<16xf32>
          %lt3A_139 = arith.cmpi slt, %get3A_133, %scan3A_125 : vector<16xi32>
          %and3A_140 = arith.andi %eq3A_138, %lt3A_139 : vector<16xi1>
          %or3A = arith.ori %gt3A, %and3A_140 : vector<16xi1>
          %select_n3A_141 = arith.select %or3A, %get3A_129, %scan3A_124 : vector<16xi1>, vector<16xf32>
          %select_n3A_142 = arith.select %or3A, %get3A_133, %scan3A_125 : vector<16xi1>, vector<16xi32>
          %select_n3A_143 = arith.select %or3A, %add3A_137, %scan3A_126 : vector<16xi1>, vector<16xi32>
          scf.yield %select_n3A_141, %select_n3A_142, %select_n3A_143 : vector<16xf32>, vector<16xi32>, vector<16xi32>
        }
        %scan3A_78 = arith.constant 20 : i32
        %reduce_max3A = arith.constant true
        %reduce_max3A_79 = vector.broadcast %reduce_max3A : i1 to vector<16xi1>
        %reduce_max3A_80 = tpu.scan <max>, %scan3A_77#0 masked %reduce_max3A_79 : vector<16xf32>, vector<16xi1> -> vector<16xf32>
        %reduce_max3A_81 = vector.extract %reduce_max3A_80[15] : f32 from vector<16xf32>
        %eq3A_82 = vector.broadcast %reduce_max3A_81 : f32 to vector<16xf32>
        %eq3A_83 = arith.cmpf oeq, %scan3A_77#0, %eq3A_82 : vector<16xf32>
        %jit3A_84 = arith.constant 1073741824 : i32
        %broadcast_in_dim3A_85 = vector.broadcast %jit3A_84 : i32 to vector<16xi32>
        %select_n3A_86 = arith.select %eq3A_83, %scan3A_77#1, %broadcast_in_dim3A_85 : vector<16xi1>, vector<16xi32>
        %reduce_min3A = arith.constant true
        %reduce_min3A_87 = vector.broadcast %reduce_min3A : i1 to vector<16xi1>
        %reduce_min3A_88 = arith.constant -2147483648 : i32
        %reduce_min3A_89 = vector.broadcast %reduce_min3A_88 : i32 to vector<16xi32>
        %reduce_min3A_90 = arith.xori %select_n3A_86, %reduce_min3A_89 : vector<16xi32>
        %reduce_min3A_91 = tpu.scan <min>, %reduce_min3A_90 masked %reduce_min3A_87 : vector<16xi32>, vector<16xi1> -> vector<16xi32>
        %reduce_min3A_92 = arith.xori %reduce_min3A_91, %reduce_min3A_89 : vector<16xi32>
        %reduce_min3A_93 = vector.extract %reduce_min3A_92[15] : i32 from vector<16xi32>
        %eq3A_94 = vector.broadcast %reduce_min3A_93 : i32 to vector<16xi32>
        %eq3A_95 = arith.cmpi eq, %scan3A_77#1, %eq3A_94 : vector<16xi32>
        %and3A_96 = arith.andi %eq3A_83, %eq3A_95 : vector<16xi1>
        %jit3A_97 = arith.constant 1073741824 : i32
        %broadcast_in_dim3A_98 = vector.broadcast %jit3A_97 : i32 to vector<16xi32>
        %select_n3A_99 = arith.select %and3A_96, %scan3A_77#2, %broadcast_in_dim3A_98 : vector<16xi1>, vector<16xi32>
        %reduce_min3A_100 = arith.constant true
        %reduce_min3A_101 = vector.broadcast %reduce_min3A_100 : i1 to vector<16xi1>
        %reduce_min3A_102 = arith.constant -2147483648 : i32
        %reduce_min3A_103 = vector.broadcast %reduce_min3A_102 : i32 to vector<16xi32>
        %reduce_min3A_104 = arith.xori %select_n3A_99, %reduce_min3A_103 : vector<16xi32>
        %reduce_min3A_105 = tpu.scan <min>, %reduce_min3A_104 masked %reduce_min3A_101 : vector<16xi32>, vector<16xi1> -> vector<16xi32>
        %reduce_min3A_106 = arith.xori %reduce_min3A_105, %reduce_min3A_103 : vector<16xi32>
        %reduce_min3A_107 = vector.extract %reduce_min3A_106[15] : i32 from vector<16xi32>
        %mul3A_108 = vector.broadcast %reduce_min3A_107 : i32 to vector<16xi32>
        %mul3A_109 = arith.muli %mul3A_108, %broadcast_in_dim3A_36 : vector<16xi32>
        %broadcast_in_dim3A_110 = arith.constant -1.000000e+00 : f32
        %broadcast_in_dim3A_111 = vector.broadcast %broadcast_in_dim3A_110 : f32 to vector<16xf32>
        tpu.vector_store_idx %arg11[%mul3A_109], %broadcast_in_dim3A_111 masked %eq3A_39 : memref<320xf32, #tpu.memory_space<vmem>>[vector<16xi32>], vector<16xf32>, vector<16xi1>
        %mul3A_112 = vector.broadcast %scan3A_66 : i32 to vector<16xi32>
        %mul3A_113 = arith.muli %mul3A_112, %broadcast_in_dim3A_36 : vector<16xi32>
        %mul3A_114 = vector.broadcast %reduce_min3A_93 : i32 to vector<16xi32>
        %mul3A_115 = arith.muli %mul3A_114, %broadcast_in_dim3A_36 : vector<16xi32>
        tpu.vector_store_idx %arg13[%mul3A_113], %mul3A_115 masked %eq3A_39 : memref<40xi32, #tpu.memory_space<vmem>>[vector<16xi32>], vector<16xi32>, vector<16xi1>
        %mul3A_116 = vector.broadcast %scan3A_66 : i32 to vector<16xi32>
        %mul3A_117 = arith.muli %mul3A_116, %broadcast_in_dim3A_36 : vector<16xi32>
        %mul3A_118 = arith.constant 8192 : i32
        %mul3A_119 = arith.muli %add3A, %mul3A_118 : i32
        %sub3A_120 = arith.subi %reduce_min3A_93, %mul3A_119 : i32
        %mul3A_121 = vector.broadcast %sub3A_120 : i32 to vector<16xi32>
        %mul3A_122 = arith.muli %mul3A_121, %broadcast_in_dim3A_36 : vector<16xi32>
        tpu.vector_store_idx %arg14[%mul3A_117], %mul3A_122 masked %eq3A_39 : memref<40xi32, #tpu.memory_space<vmem>>[vector<16xi32>], vector<16xi32>, vector<16xi1>
      }
      %scan3A_61 = arith.constant 40 : i32
      "tpu.region"() ({
        %run_scoped3A = tpu.sem_alloc : memref<!tpu.dma_semaphore, #tpu.memory_space<semaphore_mem>>
        %dma_start3A_66 = arith.constant 0 : i32
        %dma_start3A_67 = tpu.memref_slice %arg4[%add3A, %dma_start3A_66] : memref<4x40xi32, #tpu.memory_space<hbm>> -> memref<1x40xi32, #tpu.memory_space<hbm>>
        %dma_start3A_68 = tpu.memref_squeeze %dma_start3A_67 : memref<1x40xi32, #tpu.memory_space<hbm>> -> memref<40xi32, #tpu.memory_space<hbm>>
        %dma_start3A_69 = arith.constant 0 : i32
        %dma_start3A_70 = tpu.memref_slice %arg4[%add3A, %dma_start3A_69] : memref<4x40xi32, #tpu.memory_space<hbm>> -> memref<1x40xi32, #tpu.memory_space<hbm>>
        %dma_start3A_71 = tpu.memref_squeeze %dma_start3A_70 : memref<1x40xi32, #tpu.memory_space<hbm>> -> memref<40xi32, #tpu.memory_space<hbm>>
        tpu.enqueue_dma source(%arg14 : memref<40xi32, #tpu.memory_space<vmem>>) target(%dma_start3A_71 : memref<40xi32, #tpu.memory_space<hbm>>) target_semaphore(%run_scoped3A : memref<!tpu.dma_semaphore, #tpu.memory_space<semaphore_mem>>)
        %dma_wait3A_72 = arith.constant 0 : i32
        %dma_wait3A_73 = tpu.memref_slice %arg4[%add3A, %dma_wait3A_72] : memref<4x40xi32, #tpu.memory_space<hbm>> -> memref<1x40xi32, #tpu.memory_space<hbm>>
        %dma_wait3A_74 = tpu.memref_squeeze %dma_wait3A_73 : memref<1x40xi32, #tpu.memory_space<hbm>> -> memref<40xi32, #tpu.memory_space<hbm>>
        %dma_wait3A_75 = arith.constant 0 : i32
        %dma_wait3A_76 = tpu.memref_slice %arg4[%add3A, %dma_wait3A_75] : memref<4x40xi32, #tpu.memory_space<hbm>> -> memref<1x40xi32, #tpu.memory_space<hbm>>
        %dma_wait3A_77 = tpu.memref_squeeze %dma_wait3A_76 : memref<1x40xi32, #tpu.memory_space<hbm>> -> memref<40xi32, #tpu.memory_space<hbm>>
        tpu.wait_dma2 semaphore(%run_scoped3A : memref<!tpu.dma_semaphore, #tpu.memory_space<semaphore_mem>>) src(%arg14 : memref<40xi32, #tpu.memory_space<vmem>>) dst(%dma_wait3A_77 : memref<40xi32, #tpu.memory_space<hbm>>)
        tpu.yield
      }) : () -> ()
      %dma_start3A = arith.constant 0 : i32
      %dma_start3A_62 = arith.constant 0 : i32
      %dma_start3A_63 = tpu.memref_slice %arg3[%dma_start3A, %dma_start3A_62] : memref<32768x1024xf32, #tpu.memory_space<hbm>> -> memref<32768x1024xf32, #tpu.memory_space<hbm>>
      tpu.enqueue_indirect_dma source(%dma_start3A_63 : memref<32768x1024xf32, #tpu.memory_space<hbm>>) target(%arg15 : memref<40x1024xf32, #tpu.memory_space<vmem>>) offsets(%arg13 : memref<40xi32, #tpu.memory_space<vmem>>) semaphore(%arg16 : memref<!tpu.dma_semaphore, #tpu.memory_space<semaphore_mem>>)
      %dma_wait3A = arith.constant 0 : i32
      %dma_wait3A_64 = arith.constant 0 : i32
      %dma_wait3A_65 = tpu.memref_slice %arg3[%dma_wait3A, %dma_wait3A_64] : memref<32768x1024xf32, #tpu.memory_space<hbm>> -> memref<32768x1024xf32, #tpu.memory_space<hbm>>
      tpu.wait_indirect_dma semaphore(%arg16 : memref<!tpu.dma_semaphore, #tpu.memory_space<semaphore_mem>>) src(%dma_wait3A_65 : memref<32768x1024xf32, #tpu.memory_space<hbm>>) dst(%arg15 : memref<40x1024xf32, #tpu.memory_space<vmem>>)
      "tpu.region"() ({
        %run_scoped3A = tpu.sem_alloc : memref<!tpu.dma_semaphore, #tpu.memory_space<semaphore_mem>>
        %dma_start3A_66 = arith.constant 0 : i32
        %dma_start3A_67 = arith.constant 0 : i32
        %dma_start3A_68 = tpu.memref_slice %arg5[%add3A, %dma_start3A_66, %dma_start3A_67] : memref<4x40x1024xf32, #tpu.memory_space<hbm>> -> memref<1x40x1024xf32, #tpu.memory_space<hbm>>
        %dma_start3A_69 = tpu.memref_squeeze %dma_start3A_68 : memref<1x40x1024xf32, #tpu.memory_space<hbm>> -> memref<40x1024xf32, #tpu.memory_space<hbm>>
        %dma_start3A_70 = arith.constant 0 : i32
        %dma_start3A_71 = arith.constant 0 : i32
        %dma_start3A_72 = tpu.memref_slice %arg5[%add3A, %dma_start3A_70, %dma_start3A_71] : memref<4x40x1024xf32, #tpu.memory_space<hbm>> -> memref<1x40x1024xf32, #tpu.memory_space<hbm>>
        %dma_start3A_73 = tpu.memref_squeeze %dma_start3A_72 : memref<1x40x1024xf32, #tpu.memory_space<hbm>> -> memref<40x1024xf32, #tpu.memory_space<hbm>>
        tpu.enqueue_dma source(%arg15 : memref<40x1024xf32, #tpu.memory_space<vmem>>) target(%dma_start3A_73 : memref<40x1024xf32, #tpu.memory_space<hbm>>) target_semaphore(%run_scoped3A : memref<!tpu.dma_semaphore, #tpu.memory_space<semaphore_mem>>)
        %dma_wait3A_74 = arith.constant 0 : i32
        %dma_wait3A_75 = arith.constant 0 : i32
        %dma_wait3A_76 = tpu.memref_slice %arg5[%add3A, %dma_wait3A_74, %dma_wait3A_75] : memref<4x40x1024xf32, #tpu.memory_space<hbm>> -> memref<1x40x1024xf32, #tpu.memory_space<hbm>>
        %dma_wait3A_77 = tpu.memref_squeeze %dma_wait3A_76 : memref<1x40x1024xf32, #tpu.memory_space<hbm>> -> memref<40x1024xf32, #tpu.memory_space<hbm>>
        %dma_wait3A_78 = arith.constant 0 : i32
        %dma_wait3A_79 = arith.constant 0 : i32
        %dma_wait3A_80 = tpu.memref_slice %arg5[%add3A, %dma_wait3A_78, %dma_wait3A_79] : memref<4x40x1024xf32, #tpu.memory_space<hbm>> -> memref<1x40x1024xf32, #tpu.memory_space<hbm>>
        %dma_wait3A_81 = tpu.memref_squeeze %dma_wait3A_80 : memref<1x40x1024xf32, #tpu.memory_space<hbm>> -> memref<40x1024xf32, #tpu.memory_space<hbm>>
        tpu.wait_dma2 semaphore(%run_scoped3A : memref<!tpu.dma_semaphore, #tpu.memory_space<semaphore_mem>>) src(%arg15 : memref<40x1024xf32, #tpu.memory_space<vmem>>) dst(%dma_wait3A_81 : memref<40x1024xf32, #tpu.memory_space<hbm>>)
        tpu.yield
      }) : () -> ()
    } else {
    }
    return
  }
}

module attributes {stable_mosaic.version = 14 : i64} {
  func.func @_scorer_body(%arg0: i32, %arg1: memref<1x1024x1024xf32, #tpu.memory_space<vmem>>, %arg2: memref<1024x512xf32, #tpu.memory_space<vmem>>, %arg3: memref<1x512xf32, #tpu.memory_space<vmem>>, %arg4: memref<1x512xf32, #tpu.memory_space<vmem>>, %arg5: memref<1x512xf32, #tpu.memory_space<vmem>>, %arg6: memref<512x1xf32, #tpu.memory_space<vmem>>, %arg7: memref<1x1xf32, #tpu.memory_space<vmem>>, %arg8: memref<1x1024x1xf32, #tpu.memory_space<vmem>>) attributes {dimension_semantics = [#tpu.dimension_semantics<arbitrary>], iteration_bounds = array<i64: 32>, scalar_prefetch = 0 : i64, scratch_operands = 0 : i64, tpu.core_type = #tpu.core_type<tc>, window_params = [{transform_indices = @transform_0, window_bounds = array<i64: 1, 1024, 1024>}, {pipeline_mode = #tpu.pipeline_mode<synchronous>, transform_indices = @transform_1, window_bounds = array<i64: 1024, 512>}, {pipeline_mode = #tpu.pipeline_mode<synchronous>, transform_indices = @transform_2, window_bounds = array<i64: 1, 512>}, {pipeline_mode = #tpu.pipeline_mode<synchronous>, transform_indices = @transform_3, window_bounds = array<i64: 1, 512>}, {pipeline_mode = #tpu.pipeline_mode<synchronous>, transform_indices = @transform_4, window_bounds = array<i64: 1, 512>}, {pipeline_mode = #tpu.pipeline_mode<synchronous>, transform_indices = @transform_5, window_bounds = array<i64: 512, 1>}, {pipeline_mode = #tpu.pipeline_mode<synchronous>, transform_indices = @transform_6, window_bounds = array<i64: 1, 1>}, {transform_indices = @transform_7, window_bounds = array<i64: 1, 1024, 1>}]} {
    %get3A = arith.constant 0 : index
    %get3A_0 = arith.constant 0 : index
    %get3A_1 = arith.constant 0 : index
    %get3A_2 = vector.load %arg1[%get3A, %get3A_0, %get3A_1] : memref<1x1024x1024xf32, #tpu.memory_space<vmem>>, vector<1x1024x1024xf32>
    %get3A_3 = vector.shape_cast %get3A_2 : vector<1x1024x1024xf32> to vector<1024x1024xf32>
    %get3A_4 = arith.constant 0 : index
    %get3A_5 = arith.constant 0 : index
    %get3A_6 = vector.load %arg2[%get3A_4, %get3A_5] : memref<1024x512xf32, #tpu.memory_space<vmem>>, vector<1024x512xf32>
    %dot_general3A = arith.constant dense<0.000000e+00> : vector<1024x512xf32>
    %dot_general3A_7 = tpu.matmul %get3A_3, %get3A_6, %dot_general3A {dimension_numbers = #tpu.dot_dimension_numbers<[1], [0], [0], [1], [0, 0, 1, 1], [], []>, transpose_lhs_hint = false} : vector<1024x1024xf32>, vector<1024x512xf32>, vector<1024x512xf32> -> vector<1024x512xf32>
    %get3A_8 = arith.constant 0 : index
    %get3A_9 = arith.constant 0 : index
    %get3A_10 = vector.load %arg3[%get3A_8, %get3A_9] : memref<1x512xf32, #tpu.memory_space<vmem>>, vector<1x512xf32>
    %add3A = vector.broadcast %get3A_10 : vector<1x512xf32> to vector<1024x512xf32>
    %add3A_11 = arith.addf %dot_general3A_7, %add3A : vector<1024x512xf32>
    %reduce_sum3A = arith.constant dense<0.000000e+00> : vector<1024xf32>
    %reduce_sum3A_12 = vector.multi_reduction <add>, %add3A_11, %reduce_sum3A [1] : vector<1024x512xf32> to vector<1024xf32>
    %broadcast_in_dim3A = vector.shape_cast %reduce_sum3A_12 : vector<1024xf32> to vector<1024x1xf32>
    %div3A = arith.constant 5.120000e+02 : f32
    %div3A_13 = vector.broadcast %div3A : f32 to vector<1024x1xf32>
    %div3A_14 = arith.divf %broadcast_in_dim3A, %div3A_13 : vector<1024x1xf32>
    %sub3A = vector.broadcast %div3A_14 : vector<1024x1xf32> to vector<1024x512xf32>
    %sub3A_15 = arith.subf %add3A_11, %sub3A : vector<1024x512xf32>
    %integer_pow3A = arith.mulf %sub3A_15, %sub3A_15 : vector<1024x512xf32>
    %reduce_sum3A_16 = arith.constant dense<0.000000e+00> : vector<1024xf32>
    %reduce_sum3A_17 = vector.multi_reduction <add>, %integer_pow3A, %reduce_sum3A_16 [1] : vector<1024x512xf32> to vector<1024xf32>
    %broadcast_in_dim3A_18 = vector.shape_cast %reduce_sum3A_17 : vector<1024xf32> to vector<1024x1xf32>
    %div3A_19 = arith.constant 5.120000e+02 : f32
    %div3A_20 = vector.broadcast %div3A_19 : f32 to vector<1024x1xf32>
    %div3A_21 = arith.divf %broadcast_in_dim3A_18, %div3A_20 : vector<1024x1xf32>
    %sub3A_22 = vector.broadcast %div3A_14 : vector<1024x1xf32> to vector<1024x512xf32>
    %sub3A_23 = arith.subf %add3A_11, %sub3A_22 : vector<1024x512xf32>
    %add3A_24 = arith.constant 9.99999974E-6 : f32
    %add3A_25 = vector.broadcast %add3A_24 : f32 to vector<1024x1xf32>
    %add3A_26 = arith.addf %div3A_21, %add3A_25 : vector<1024x1xf32>
    %sqrt3A = math.sqrt %add3A_26 : vector<1024x1xf32>
    %div3A_27 = vector.broadcast %sqrt3A : vector<1024x1xf32> to vector<1024x512xf32>
    %div3A_28 = arith.divf %sub3A_23, %div3A_27 : vector<1024x512xf32>
    %get3A_29 = arith.constant 0 : index
    %get3A_30 = arith.constant 0 : index
    %get3A_31 = vector.load %arg4[%get3A_29, %get3A_30] : memref<1x512xf32, #tpu.memory_space<vmem>>, vector<1x512xf32>
    %mul3A = vector.broadcast %get3A_31 : vector<1x512xf32> to vector<1024x512xf32>
    %mul3A_32 = arith.mulf %div3A_28, %mul3A : vector<1024x512xf32>
    %get3A_33 = arith.constant 0 : index
    %get3A_34 = arith.constant 0 : index
    %get3A_35 = vector.load %arg5[%get3A_33, %get3A_34] : memref<1x512xf32, #tpu.memory_space<vmem>>, vector<1x512xf32>
    %add3A_36 = vector.broadcast %get3A_35 : vector<1x512xf32> to vector<1024x512xf32>
    %add3A_37 = arith.addf %mul3A_32, %add3A_36 : vector<1024x512xf32>
    %mul3A_38 = arith.constant 5.000000e-01 : f32
    %mul3A_39 = vector.broadcast %mul3A_38 : f32 to vector<1024x512xf32>
    %mul3A_40 = arith.mulf %add3A_37, %mul3A_39 : vector<1024x512xf32>
    %mul3A_41 = arith.constant 0.707106769 : f32
    %mul3A_42 = vector.broadcast %mul3A_41 : f32 to vector<1024x512xf32>
    %mul3A_43 = arith.mulf %add3A_37, %mul3A_42 : vector<1024x512xf32>
    %erf3A = math.erf %mul3A_43 : vector<1024x512xf32>
    %add3A_44 = arith.constant 1.000000e+00 : f32
    %add3A_45 = vector.broadcast %add3A_44 : f32 to vector<1024x512xf32>
    %add3A_46 = arith.addf %add3A_45, %erf3A : vector<1024x512xf32>
    %mul3A_47 = arith.mulf %mul3A_40, %add3A_46 : vector<1024x512xf32>
    %get3A_48 = arith.constant 0 : index
    %get3A_49 = arith.constant 0 : index
    %get3A_50 = vector.load %arg6[%get3A_48, %get3A_49] : memref<512x1xf32, #tpu.memory_space<vmem>>, vector<512x1xf32>
    %dot_general3A_51 = arith.constant dense<0.000000e+00> : vector<1024x1xf32>
    %dot_general3A_52 = tpu.matmul %mul3A_47, %get3A_50, %dot_general3A_51 {dimension_numbers = #tpu.dot_dimension_numbers<[1], [0], [0], [1], [0, 0, 1, 1], [], []>, transpose_lhs_hint = false} : vector<1024x512xf32>, vector<512x1xf32>, vector<1024x1xf32> -> vector<1024x1xf32>
    %get3A_53 = arith.constant 0 : index
    %get3A_54 = arith.constant 0 : index
    %get3A_55 = vector.load %arg7[%get3A_53, %get3A_54] : memref<1x1xf32, #tpu.memory_space<vmem>>, vector<1x1xf32>
    %add3A_56 = vector.broadcast %get3A_55 : vector<1x1xf32> to vector<1024x1xf32>
    %add3A_57 = arith.addf %dot_general3A_52, %add3A_56 : vector<1024x1xf32>
    %logistic3A = arith.negf %add3A_57 : vector<1024x1xf32>
    %logistic3A_58 = math.exp %logistic3A : vector<1024x1xf32>
    %logistic3A_59 = arith.constant 1.000000e+00 : f32
    %logistic3A_60 = vector.broadcast %logistic3A_59 : f32 to vector<1024x1xf32>
    %logistic3A_61 = arith.addf %logistic3A_60, %logistic3A_58 : vector<1024x1xf32>
    %logistic3A_62 = arith.divf %logistic3A_60, %logistic3A_61 : vector<1024x1xf32>
    %swap3A = arith.constant 0 : index
    %swap3A_63 = arith.constant 0 : index
    %swap3A_64 = arith.constant 0 : index
    %swap3A_65 = vector.load %arg8[%swap3A, %swap3A_63, %swap3A_64] : memref<1x1024x1xf32, #tpu.memory_space<vmem>>, vector<1x1024x1xf32>
    %swap3A_66 = vector.shape_cast %swap3A_65 : vector<1x1024x1xf32> to vector<1024x1xf32>
    %swap3A_67 = vector.shape_cast %logistic3A_62 : vector<1024x1xf32> to vector<1x1024x1xf32>
    tpu.vector_store %arg8[%swap3A, %swap3A_63, %swap3A_64], %swap3A_67 {strides = array<i32>} : memref<1x1024x1xf32, #tpu.memory_space<vmem>>, vector<1x1024x1xf32>,
    return
  }
  func.func @transform_0(%arg0: i32) -> (i32, i32, i32) {
    %c0_i32 = arith.constant 0 : i32
    %c0_i32_0 = arith.constant 0 : i32
    %c0_i32_1 = arith.constant 0 : i32
    return %arg0, %c0_i32, %c0_i32_0 : i32, i32, i32
  }
  func.func @transform_1(%arg0: i32) -> (i32, i32) {
    %c0_i32 = arith.constant 0 : i32
    %c0_i32_0 = arith.constant 0 : i32
    %c0_i32_1 = arith.constant 0 : i32
    return %c0_i32, %c0_i32_0 : i32, i32
  }
  func.func @transform_2(%arg0: i32) -> (i32, i32) {
    %c0_i32 = arith.constant 0 : i32
    %c0_i32_0 = arith.constant 0 : i32
    %c0_i32_1 = arith.constant 0 : i32
    return %c0_i32, %c0_i32_0 : i32, i32
  }
  func.func @transform_3(%arg0: i32) -> (i32, i32) {
    %c0_i32 = arith.constant 0 : i32
    %c0_i32_0 = arith.constant 0 : i32
    %c0_i32_1 = arith.constant 0 : i32
    return %c0_i32, %c0_i32_0 : i32, i32
  }
  func.func @transform_4(%arg0: i32) -> (i32, i32) {
    %c0_i32 = arith.constant 0 : i32
    %c0_i32_0 = arith.constant 0 : i32
    %c0_i32_1 = arith.constant 0 : i32
    return %c0_i32, %c0_i32_0 : i32, i32
  }
  func.func @transform_5(%arg0: i32) -> (i32, i32) {
    %c0_i32 = arith.constant 0 : i32
    %c0_i32_0 = arith.constant 0 : i32
    %c0_i32_1 = arith.constant 0 : i32
    return %c0_i32, %c0_i32_0 : i32, i32
  }
  func.func @transform_6(%arg0: i32) -> (i32, i32) {
    %c0_i32 = arith.constant 0 : i32
    %c0_i32_0 = arith.constant 0 : i32
    %c0_i32_1 = arith.constant 0 : i32
    return %c0_i32, %c0_i32_0 : i32, i32
  }
  func.func @transform_7(%arg0: i32) -> (i32, i32, i32) {
    %c0_i32 = arith.constant 0 : i32
    %c0_i32_0 = arith.constant 0 : i32
    %c0_i32_1 = arith.constant 0 : i32
    return %arg0, %c0_i32, %c0_i32_0 : i32, i32, i32
  }
}

</mosaic_0001>

<sc_bundles>
// kernel: kernel.4.cloned.1.call-start
scs
__scs_entry_jumppad:
0x0: {  	(pc) =	sbr.rel $0x88, $3  }
0x1: {  	(tag) =	ssettag $0x0;
	lr =	simm.s32 $0x1  }
0x2: {  	[smem:$0x3F9A] =	sst lr;
	_ =	strace $0xD0000000  }
0x3: {  	_ = 	snop  }
0x4: {  	_ = 	snop  }
0x5: {  	_ = 	snop  }
0x6: {  	_ = 	snop  }
0x7: {  	_ = 	snop  }
__scs_overlays_trampoline_lowered:
0x8: {  	[smem:$0x3FA9] =	sst s0  }
0x9: {  	[smem:$0x3FAA] =	sst s1  }
0xa: {  	[smem:$0x3FAB] =	sst s2  }
0xb: {  	[smem:$0x3FAC] =	sst s3  }
0xc: {  	[smem:$0x3FAD] =	sst s4  }
0xd: {  	[smem:$0x3FAE] =	sst s5  }
0xe: {  	[smem:$0x3FAF] =	sst s6  }
0xf: {  	[smem:$0x3FB0] =	sst s7  }
0x10: {  	[smem:$0x3FB1] =	sst s8  }
0x11: {  	[smem:$0x3FB2] =	sst s9;
	s0 =	simm.s32 @!p0 $0x0  }
0x12: {  	s1 =	sld [smem:$0x3F98];
	s0 =	simm.s32 @p0 $0x1  }
0x13: {  	[smem:$0x3FB3] =	sst s0;
	s0 =	simm.s32 @!p1 $0x0  }
0x14: {  	s2 =	sld [smem:$0x3F97];
	s0 =	simm.s32 @p1 $0x1  }
0x15: {  	[smem:$0x3FB4] =	sst s0;
	s0 =	simm.s32 @!p2 $0x0  }
0x16: {  	s3 =	sld [smem:$0x3FDB];
	s0 =	simm.s32 @p2 $0x1  }
0x17: {  	s4 =	simm.s32 $0x1BF5;
	[smem:$0x3FB6] =	sst s0  }
0x18: {  	s0 =	sld [smem:$0x3F99];
	_ =	swait.ge [sflag:s4], $0x0  }
0x19: {  	s7 =	sld [smem:$0x3F9A]  }
0x1a: {  	s8 =	sadd.s32 $0xFFFFE003, lr  }
0x1b: {  	s9 =	sadd.s32 $0xFFFFFEF7, lr;
	s5 =	simm.s32 $0xFFFFFFFF;
	p2 =	slt.u32 s8, $0xFFFFF086  }
0x1c: {  	p1 =	slt.u32 s9, $0xF7A;
	s5 =	simm.s32 @!p2 $0x0  }
0x1d: {  	s5 =	simm.s32 @p1 $0x1;
	p0 =	seq.s32 s7, s2  }
0x1e: {  	s7 =	smul.u32 @!p0 $0xF7A, s2;
	p2 =	seq.s32 @!p0 s5, $0x0  }
0x1f: {  	s9 =	smul.u32 $0xF7A, s1;
	s8 =	simm.s32 @!p0 $0x1BF5;
	p2 =	por !p2, p0  }
0x20: {  	[sflag:s8] =	ssyncset.s32 @!p0 $0xFFFFF086;
	s6 =	sadd.s32 @!p0 s3, s7;
	s7 =	simm.s32 @!p0 $0x108  }
0x21: {  	s3 =	sadd.s32 s3, s9;
	s6 =	sadd.s32 @!p0 $0x88, s6;
	s7 =	simm.s32 @p2 $0x1082  }
0x22: {  	[simem:s7], [sflag:s8] =	dma.local @!p0 [hbm:s6], $0xF7A  }
0x23: {  	s9 =	sor.u32 $0xD0000000, s2;
	s6 =	simm.s32 $0x108;
	_ =	swait.ge @!p0 [sflag:s8], $0x0  }
0x24: {  	s3 =	sadd.s32 $0x88, s3;
	s6 =	simm.s32 @!p1 $0x1082;
	[sflag:s4] =	ssyncset.s32 $0xFFFFF086  }
0x25: {  	[simem:s6], [sflag:s4] =	dma.local [hbm:s3], $0xF7A  }
0x26: {  	[smem:$0x3F9A] =	sst s1;
	(tag) =	ssettag s2;
	_ =	strace s9  }
0x27: {  	s1 =	sld [smem:$0x3FAA]  }
0x28: {  	s2 =	sld [smem:$0x3FAB]  }
0x29: {  	s4 =	sld [smem:$0x3FAD]  }
0x2a: {  	p0 =	seq.s32 s5, $0x0;
	s5 =	sld [smem:$0x3FAE]  }
0x2b: {  	s6 =	sld [smem:$0x3FAF]  }
0x2c: {  	s7 =	sld [smem:$0x3FB0]  }
0x2d: {  	s3 =	simm.s32 $0x108;
	s8 =	sld [smem:$0x3FB1]  }
0x2e: {  	s3 =	simm.s32 @!p0 $0x1082;
	s9 =	sld [smem:$0x3FB2]  }
0x2f: {  	lr =	sadd.s32 s0, s3;
	s0 =	sld [smem:$0x3FA9]  }
0x30: {  	s3 =	sld [smem:$0x3FAC]  }
0x31: {  	[smem:$0x3FB5] =	sst s10  }
0x32: {  	s10 =	sld [smem:$0x3FB3];
	_ =	sdelay $0x3  }
0x33: {  	p0 =	seq.s32 s10, $0x1;
	s10 =	sld [smem:$0x3FB5];
	_ =	sdelay $0x3  }
0x34: {  	[smem:$0x3FB5] =	sst s10  }
0x35: {  	s10 =	sld [smem:$0x3FB4];
	_ =	sdelay $0x3  }
0x36: {  	p1 =	seq.s32 s10, $0x1;
	s10 =	sld [smem:$0x3FB5];
	_ =	sdelay $0x3  }
0x37: {  	[smem:$0x3FB5] =	sst s10  }
0x38: {  	s10 =	sld [smem:$0x3FB6]  }
0x39: {  	_ = 	snop;
	(pc) =	sbr.ind lr, $3  }
0x3a: {  	_ = 	snop  }
0x3b: {  	_ = 	snop  }
0x3c: {  	p2 =	seq.s32 s10, $0x1;
	s10 =	sld [smem:$0x3FB5]  }
0x3d: {  	_ =	shalt  }
0x3e: {  	_ =	shalt  }
0x3f: {  	_ =	shalt  }
0x40: {  	_ =	shalt  }
0x41: {  	_ =	shalt  }
0x42: {  	_ =	shalt  }
0x43: {  	_ =	shalt  }
0x44: {  	_ =	shalt  }
0x45: {  	_ =	shalt  }
0x46: {  	_ =	shalt  }
0x47: {  	_ =	shalt  }
0x48: {  	_ =	shalt  }
0x49: {  	_ =	shalt  }
0x4a: {  	_ =	shalt  }
0x4b: {  	_ =	shalt  }
0x4c: {  	_ =	shalt  }
0x4d: {  	_ =	shalt  }
0x4e: {  	_ =	shalt  }
0x4f: {  	_ =	shalt  }
0x50: {  	_ =	shalt  }
0x51: {  	_ =	shalt  }
0x52: {  	_ =	shalt  }
0x53: {  	_ =	shalt  }
0x54: {  	_ =	shalt  }
0x55: {  	_ =	shalt  }
0x56: {  	_ =	shalt  }
0x57: {  	_ =	shalt  }
0x58: {  	_ =	shalt  }
0x59: {  	_ =	shalt  }
0x5a: {  	_ =	shalt  }
0x5b: {  	_ =	shalt  }
0x5c: {  	_ =	shalt  }
0x5d: {  	_ =	shalt  }
0x5e: {  	_ =	shalt  }
0x5f: {  	_ =	shalt  }
0x60: {  	_ =	shalt  }
0x61: {  	_ =	shalt  }
0x62: {  	_ =	shalt  }
0x63: {  	_ =	shalt  }
0x64: {  	_ =	shalt  }
0x65: {  	_ =	shalt  }
0x66: {  	_ =	shalt  }
0x67: {  	_ =	shalt  }
0x68: {  	_ =	shalt  }
0x69: {  	_ =	shalt  }
0x6a: {  	_ =	shalt  }
0x6b: {  	_ =	shalt  }
0x6c: {  	_ =	shalt  }
0x6d: {  	_ =	shalt  }
0x6e: {  	_ =	shalt  }
0x6f: {  	_ =	shalt  }
0x70: {  	_ =	shalt  }
0x71: {  	_ =	shalt  }
0x72: {  	_ =	shalt  }
0x73: {  	_ =	shalt  }
0x74: {  	_ =	shalt  }
0x75: {  	_ =	shalt  }
0x76: {  	_ =	shalt  }
0x77: {  	_ =	shalt  }
0x78: {  	_ =	shalt  }
0x79: {  	_ =	shalt  }
0x7a: {  	_ =	shalt  }
0x7b: {  	_ =	shalt  }
0x7c: {  	_ =	shalt  }
0x7d: {  	_ =	shalt  }
0x7e: {  	_ =	shalt  }
0x7f: {  	_ =	shalt  }
0x80: {  	_ =	shalt  }
0x81: {  	_ =	shalt  }
0x82: {  	_ =	shalt  }
0x83: {  	_ =	shalt  }
0x84: {  	_ =	shalt  }
0x85: {  	_ =	shalt  }
0x86: {  	_ =	shalt  }
0x87: {  	_ =	shalt  }
.Lfunc_end0:
.L_simem_size_0:
called_computation_lowered:
.L_overlay_start_0:
0x88: {  	s2 =	sld [smem:$0x3FD9]  }
0x89: {  	s3 =	sld [smem:$0x3FFE];
	_ =	sdelay $0x1  }
0x8a: {  	s1 =	srdreg.scid  }
0x8b: {  	s0 =	sand.u32 $0x1, s1  }
0x8c: {  	s14 =	sshll.u32 s0, $0xA;
	s2 =	sadd.s32 s3, s2  }
0x8d: {  	s2 =	sadd.s32 s2, s14  }
0x8e: {  	[smem:$0x3FC1] =	sst s2  }
0x8f: {  	_ = 	snop  }
0x90: {  	s2 =	sld [smem:$0x3FD0];
	_ =	sdelay $0x2  }
0x91: {  	s4 =	simm.s32 $0xA;
	s5 =	simm.s32 $0x10;
	s15 =	sld [smem:$0x3FC9]  }
0x92: {  	[smem:s5], [sflag:s4] =	dma.local [hbm:s2], $0x1  }
0x93: {  	_ =	swait.eq [sflag:s4], $0x1  }
0x94: {  	[sflag:s4] =	ssyncset.done $0x0  }
0x95: {  	s16 =	sld [smem:$0x10];
	[sflag:s4] =	ssyncadd.s32 $0xFFFFFFFF  }
0x96: {  	s17 =	sld [smem:$0x11];
	(tm) =	ssettm $0x1  }
0x97: {  	s18 =	sld [smem:$0x3FFB];
	_ =	sdelay $0x3  }
0x98: {  	_ =	strace s18  }
0x99: {  	s5 =	sld [smem:$0x3FFC];
	_ =	sdelay $0x3  }
0x9a: {  	_ =	strace s5  }
0x9b: {  	s5 =	sld [smem:$0x3FFD];
	_ =	sdelay $0x3  }
0x9c: {  	_ =	strace s5  }
0x9d: {  	_ =	strace $0x8FFFFFFF  }
0x9e: {  	s19 =	sld [smem:$0x3FDB];
	_ =	sdelay $0x1  }
0x9f: {  	s6 =	simm.s32 $_scs_section_size  }
0xa0: {  	s7 =	simm.s32 $_size__tile_overlayer_lowered;
	s8 =	simm.s32 $_tile_overlayer_lowered  }
0xa1: {  	s22 =	simm.s32 $0x1BFF;
	s21 =	sshll.u32 s8, $0x1;
	s5 =	sadd.s32 s6, s19  }
0xa2: {  	s9 =	simm.s32 $0x0;
	s20 =	sshll.u32 s7, $0x1;
	s7 =	sadd.s32 s21, s5  }
0xa3: {  	[timem:s9], [sflag:s22] =	dma.local [hbm:s7], s20  }
0xa4: {  	_ =	swait.ge [sflag:s22], s20  }
0xa5: {  	s6 =	ssub.s32 $0x0, s20;
	[sflag:s22] =	ssyncset.done $0x0  }
0xa6: {  	[sflag:s22] =	ssyncadd.s32 s6;
	_ =	sdelay $0x1  }
0xa7: {  	s23 =	simm.s32 $0x1B8B  }
0xa8: {  	_ =	swait.ge [sflag:s23], $0x1  }
0xa9: {  	[sflag:s23] =	ssyncset.done $0x0  }
0xaa: {  	s25 =	simm.s32 $0x1B8E;
	s24 =	sld [smem:$0x3FFE];
	[sflag:s23] =	ssyncadd.s32 $0xFFFFFFFF  }
0xab: {  	s26 =	simm.s32 $execute0_lowered;
	[smem:$0x3FD2] =	sst s25  }
0xac: {  	s7 =	sshll.u32 s26, $0x1;
	_ =	strace $0x80000046;
	[dreg:$0x1] =	wrdreg $0xFFFFFFFF  }
0xad: {  	s28 =	simm.s32 $_size_execute0_lowered;
	s5 =	sadd.s32 s5, s7;
	[dreg:$0x0] =	wrdreg $0x0  }
0xae: {  	s7 =	sshll.u32 s28, $0x1;
	[dreg:$0x2] =	wrdreg s5  }
0xaf: {  	[dreg:$0x3] =	wrdreg s7  }
0xb0: {  	[dreg:$0x4] =	wrdreg $0xC0  }
0xb1: {  	_ =	task [dreg:s9], $0x5FFFF  }
0xb2: {  	[dreg:$0x1] =	wrdreg $0xFFFFFFFF  }
0xb3: {  	[dreg:$0x0] =	wrdreg $0x60  }
0xb4: {  	[dreg:$0x2] =	wrdreg s24  }
0xb5: {  	[dreg:$0x3] =	wrdreg s15  }
0xb6: {  	[dreg:$0x4] =	wrdreg s17  }
0xb7: {  	[dreg:$0x5] =	wrdreg s16  }
0xb8: {  	[dreg:$0x6] =	wrdreg $0x5000  }
0xb9: {  	[dreg:$0x7] =	wrdreg $0x5280  }
0xba: {  	[dreg:$0x8] =	wrdreg $0x9  }
0xbb: {  	_ =	task.clear_ibuf [dreg:s9], $0x9FFFF;
	_ =	strace $0x90000046  }
0xbc: {  	s29 =	simm.s32 $0x9;
	_ =	strace $0x80000048  }
0xbd: {  	_ =	swait.ge [sflag:s29], $0x1  }
0xbe: {  	[sflag:s29] =	ssyncadd.s32 $0xFFFFFFFF  }
0xbf: {  	_ =	strace $0x90000048  }
0xc0: {  	_ =	sfence  }
0xc1: {  	s30 =	sld [smem:$0x0];
	_ =	sdelay $0x2  }
0xc2: {  	s31 =	sshll.u32 s1, $0xD;
	s1 =	sshrl.u32 s1, $0x2  }
0xc3: {  	s3 =	sand.u32 $0x4000, s31;
	s1 =	sadd.s32 s1, s30  }
0xc4: {  	s0 =	sor.u32 s3, s0;
	s1 =	sshll.u32 s1, $0x11  }
0xc5: {  	s0 =	sor.u32 s1, s0  }
0xc6: {  	s0 =	sadd.s32 $0x8F2B, s0  }
0xc7: {  	[sflag:s0] =	ssyncadd.remote.s32 $0x1  }
0xc8: {  	_ =	sfence.sel $0xFFFF  }
0xc9: {  	[dreg:$0x0] =	wrdreg $0xFFFFFFFF;
	(pc) =	sbr.abs _section_cstart, $3  }
0xca: {  	[dreg:$0x1] =	wrdreg $0xFFFFFFFF  }
0xcb: {  	_ =	task.clear_ibuf [dreg:s9], $0x2FFFF;
	_ =	strace $0x9FFFFFFF  }
0xcc: {  	(tm) =	ssettm $0x7FFFFFFF  }
0xcd: {  	_ =	shalt  }
tec
execute0_lowered:
.L_overlay_start_1:
0x0: {  	(tag) =	ssettag $0x1  }
0x1: {  	s1 =	rddreg [dreg:$0x0]  }
0x2: {  	s0 =	rddreg [dreg:$0x1]  }
0x3: {  	s2 =	rddreg [dreg:$0x2]  }
0x4: {  	s13 =	rddreg [dreg:$0x3]  }
0x5: {  	s3 =	srdreg.scid;
	s7 =	rddreg [dreg:$0x4]  }
0x6: {  	s11 =	stileid.u32;
	s8 =	rddreg [dreg:$0x5]  }
0x7: {  	s16 =	simm.s32 $0x400;
	s17 =	simm.s32 $0x480;
	s20 =	simm.s32 $0x850  }
0x8: {  	s21 =	simm.s32 $0x8D0;
	s22 =	simm.s32 $0x950;
	s29 =	simm.s32 $0x9150  }
0x9: {  	s30 =	simm.s32 $0x9950;
	s31 =	simm.s32 $0xA150;
	s6 =	sand.u32 $0x1, s3  }
0xa: {  	s4 =	sshrl.u32 s11, $0x3;
	s18 =	sand.u32 $0x7, s11;
	s11 =	smul.u32 $0x28, s11  }
0xb: {  	s12 =	sadd.s32 $0x300, s0;
	s3 =	sshll.u32 s6, $0x1;
	s5 =	sshll.u32 s18, $0xA  }
0xc: {  	s6 =	ssub.s32 $0x2, s6;
	p0 =	sne.s32 s18, $0x0;
	s18 =	simm.s32 $0x550  }
0xd: {  	s9 =	sor.u32 s4, s3;
	s3 =	simm.s32 $0x0;
	s26 =	sshrl.u32 s6, $0x1  }
0xe: {  	s7 =	sadd.s32 s11, s7;
	s8 =	sadd.s32 s11, s8;
	s11 =	sadd.s32 $0x200, s0  }
0xf: {  	s4 =	sshll.u32 s9, $0xD;
	[smem:$0x7FF] =	sst s3;
	s15 =	smul.u32 $0x1400, s9  }
.Ltmp0:
0x10: {  	s14 =	ssub.s32 s6, s26;
	s28 =	sshll.u32 s9, $0x4;
	(pc) =	sbr.rel .LBB2_1-.Ltmp0, $4  }
0x11: {  	s5 =	sor.u32 s5, s4;
	_ =	strace $0x80000047;
	s9 =	sadd.s32 s2, s28  }
0x12: {  	v0 =	vlaneseq.u32;
	s14 =	smax.u32 s14, $0x1;
	s2 =	simm.s32 $0x1;
	s10 =	sshrl.u32 s5, $0x3  }
0x13: {  	v1 =	vimm.f32 $-1.000000000e+00;
	vm0 =	vmmov $0xffff;
	v3 =	vshrl.u32 v0, $0x3;
	s13 =	sadd.s32 s13, s15;
	s15 =	simm.s32 $0x2;
	s1 =	sadd.s32 s10, s1  }
0x14: {  	v2 =	vand.u32 $0x7, v0;
	v4 =	vor.u32 $0x8, v0;
	v3 =	vmul.u32 $0x8, v3;
	s10 =	sadd.s32 $0x100, s0;
	s6 =	sadd.s32 $0xC00, s1;
	s1 =	simm.s32 $0x0  }
.LBB2_11:
0x15: {  	s1 =	sadd.s32 $0x1, s1  }
0x16: {  	p1 =	sne.s32 s1, s14  }
.Ltmp1:
0x17: {  	_ = 	snop;
	(pc) =	sbr.rel @!p1 .LBB2_12-.Ltmp1, $1  }
0x18: {  	_ =	sdelay $0x3  }
.LBB2_1:
0x19: {  	[tilespmem:s3], [sflag:$0x2] =	stream.linear.gather [hbm4b:s6+s3], $0x400, $0x38;
	[tilespmem:$0xA950] =	vst v63  }
0x1a: {  	_ =	swait.ge [sflag:s15], $0x400  }
0x1b: {  	[sflag:s15] =	ssyncset.done $0x0  }
0x1c: {  	s19 =	simm.s32 $0x0;
	[sflag:s15] =	ssyncadd.s32 $0xFFFFFC00  }
.LBB2_2:
0x1d: {  	s24 =	simm.s32 $0x0  }
0x1e: {  	v6 =	vld [tilespmem:s24+$0x0];
	_ =	sdelay $0x3  }
0x1f: {  	v7 =	vimm.f32 $-2.000000000e+00  }
0x20: {  	v5 =	vimm.s32 $0x0;
	s23 =	simm.s32 $0x10;
	v8 =	vor.u32 s24, v0;
	s24 =	simm.s32 $0x10;
	vm1 =	vgt.f32 v6, v7  }
.LBB2_3:
0x21: {  	p1 =	sne.s32 s23, $0x3F0;
	v7 =	vsel vm1, v6, v7;
	v6 =	vld [tilespmem:s24+$0x0];
	v5 =	vsel vm1, v8, v5;
	s25 =	smov.u32 s23;
	s23 =	sadd.s32 $0x10, s23  }
.Ltmp2:
0x22: {  	(pc) =	sbr.rel @p1 .LBB2_3-.Ltmp2, $2  }
0x23: {  	_ =	sdelay $0x2  }
0x24: {  	s24 =	sadd.s32 $0x10, s24;
	v8 =	vor.u32 s25, v0;
	vm1 =	vgt.f32 v6, v7  }
0x25: {  	v6 =	vsel vm1, v6, v7  }
0x26: {  	(xrf0) =	vmax.scan.msk.f32 $0xffff, v6;
	_ =	sdelay $0x5  }
0x27: {  	v7, _, _ =	vpop (xrf0)  }
0x28: {  	v7 =	vbroadcast v7, $0xF  }
0x29: {  	v5 =	vsel vm1, v8, v5  }
0x2a: {  	v5 =	vxor.u32 $0x80000000, v5;
	vm1 =	veq.f32 v6, v7  }
0x2b: {  	v5 =	vnsel vm1, $0xC0000000, v5  }
0x2c: {  	(xrf0) =	vmin.scan.msk.u32 $0xffff, v5;
	_ =	sdelay $0x5  }
0x2d: {  	v5, _, _ =	vpop (xrf0)  }
0x2e: {  	(v2sf) =	vpush v5, $0xF;
	_ =	sdelay $0xe  }
0x2f: {  	s23 =	spop (v2sf)  }
0x30: {  	s23 =	sxor.u32 $0x80000000, s23  }
0x31: {  	v5 =	vmov s23  }
0x32: {  	v6 =	vmov s19;
	s19 =	sadd.s32 $0x1, s19  }
0x33: {  	p1 =	sne.s32 s19, $0x28  }
.Ltmp3:
0x34: {  	_ = 	snop;
	(pc) =	sbr.rel @p1 .LBB2_2-.Ltmp3, $4  }
0x35: {  	_ = 	snop  }
0x36: {  	s23 =	sadd.s32 s5, s23;
	[tilespmem:v5+s3+$0x0] =	vst.idx.msk $0x1, v1  }
0x37: {  	v5 =	vmov s23;
	[tilespmem:v6+s16+$0x0] =	vst.idx.msk $0x1, v7  }
0x38: {  	[tilespmem:v6+s17+$0x0] =	vst.idx.msk $0x1, v5  }
0x39: {  	[spmem:s7] =	stream.linear.scatter [tilespmem:s16], [sflag:$0x2], $0x28, $0x38;
	[tilespmem:$0xA950] =	vst v63  }
0x3a: {  	_ =	swait.ge [sflag:s15], $0x28  }
0x3b: {  	[sflag:s15] =	ssyncset.done $0x0  }
0x3c: {  	[sflag:s15] =	ssyncadd.s32 $0xFFFFFFD8  }
0x3d: {  	[spmem:s8] =	stream.linear.scatter [tilespmem:s17], [sflag:$0x2], $0x28, $0x38;
	[tilespmem:$0xA950] =	vst v63  }
.Ltmp4:
0x3e: {  	_ =	swait.ge [sflag:s15], $0x28;
	(pc) =	sbr.rel @p0 .LBB2_11-.Ltmp4, $3  }
0x3f: {  	[sflag:s15] =	ssyncset.done $0x0  }
0x40: {  	[sflag:s15] =	ssyncadd.s32 $0xFFFFFFD8  }
0x41: {  	[bflag:$0x0] =	sbarrier.arrive $0xFFFF;
	_ =	sdelay $0x1  }
0x42: {  	[tilespmem:s18], [sflag:$0x2] =	stream.linear.gather [spmem:s7], $0x140, $0x38;
	[tilespmem:$0xA950] =	vst v63  }
0x43: {  	_ =	swait.ge [sflag:s15], $0x140  }
0x44: {  	[sflag:s15] =	ssyncset.done $0x0  }
0x45: {  	s19 =	simm.s32 $0x6D0;
	[sflag:s15] =	ssyncadd.s32 $0xFFFFFEC0  }
0x46: {  	[tilespmem:s19], [sflag:$0x2] =	stream.linear.gather [spmem:s8], $0x140, $0x38;
	[tilespmem:$0xA950] =	vst v63  }
0x47: {  	_ =	swait.ge [sflag:s15], $0x140  }
0x48: {  	[sflag:s15] =	ssyncset.done $0x0  }
0x49: {  	s19 =	simm.s32 $0x0;
	[sflag:s15] =	ssyncadd.s32 $0xFFFFFEC0  }
.LBB2_7:
0x4a: {  	s23 =	simm.s32 $0x550  }
0x4b: {  	s24 =	simm.s32 $0x6D0;
	v9 =	vld [tilespmem:s23+$0x0]  }
0x4c: {  	v8 =	vld [tilespmem:s24+$0x0];
	_ =	sdelay $0x3  }
0x4d: {  	v7 =	vimm.f32 $-2.000000000e+00;
	v6 =	vimm.s32 $0x40000000;
	v5 =	vimm.s32 $0x0;
	s25 =	simm.s32 $0x10;
	s26 =	simm.s32 $0x560;
	s23 =	simm.s32 $0x0  }
.LBB2_8:
0x4e: {  	v10 =	vld [tilespmem:s26+$0x0];
	vm1 =	veq.f32 v9, v7;
	vm2 =	vlt.s32 v8, v6;
	s24 =	sadd.s32 $0x10, s24;
	v11 =	vmov v8;
	s28 =	smov.u32 s25;
	p1 =	sne.s32 s25, $0x130  }
.Ltmp5:
0x4f: {  	s25 =	sadd.s32 $0x10, s25;
	vm3 =	vgt.f32 v9, v7;
	v8 =	vld [tilespmem:s24+$0x0];
	vm1 =	vmand vm1, vm2;
	(pc) =	sbr.rel @p1 .LBB2_8-.Ltmp5, $3  }
0x50: {  	v12 =	vor.u32 s23, v0;
	s23 =	smov.u32 s28;
	vm1 =	vmor vm3, vm1  }
0x51: {  	v7 =	vsel vm1, v9, v7;
	v6 =	vsel vm1, v11, v6;
	v5 =	vsel vm1, v12, v5;
	_ =	sdelay $0x1  }
0x52: {  	s26 =	sadd.s32 $0x10, s26;
	v9 =	vmov v10  }
0x53: {  	vm1 =	veq.f32 v9, v7;
	vm2 =	vlt.s32 v8, v6  }
0x54: {  	vm3 =	vgt.f32 v9, v7;
	vm1 =	vmand vm1, vm2  }
0x55: {  	vm1 =	vmor vm3, vm1  }
0x56: {  	v7 =	vsel vm1, v9, v7  }
0x57: {  	(xrf0) =	vmax.scan.msk.f32 $0xffff, v7;
	_ =	sdelay $0x5  }
0x58: {  	v63, _, _ =	vpop (xrf0)  }
0x59: {  	v9 =	vbroadcast v63, $0xF  }
0x5a: {  	v6 =	vsel vm1, v8, v6  }
0x5b: {  	vm2 =	veq.f32 v7, v9;
	v7 =	vxor.u32 $0x80000000, v6  }
0x5c: {  	v7 =	vnsel vm2, $0xC0000000, v7  }
0x5d: {  	(xrf0) =	vmin.scan.msk.u32 $0xffff, v7;
	_ =	sdelay $0x5  }
0x5e: {  	v7, _, _ =	vpop (xrf0)  }
0x5f: {  	(v2sf) =	vpush v7, $0xF;
	_ =	sdelay $0xe  }
0x60: {  	s24 =	spop (v2sf)  }
0x61: {  	v7 =	vor.u32 s23, v0;
	s26 =	sxor.u32 $0x80000000, s24  }
0x62: {  	v5 =	vsel vm1, v7, v5;
	vm1 =	veq.s32 v6, s26  }
0x63: {  	v5 =	vxor.u32 $0x80000000, v5;
	vm1 =	vmand vm2, vm1  }
0x64: {  	v5 =	vnsel vm1, $0xC0000000, v5  }
0x65: {  	(xrf0) =	vmin.scan.msk.u32 $0xffff, v5;
	_ =	sdelay $0x5  }
0x66: {  	v5, _, _ =	vpop (xrf0)  }
0x67: {  	(v2sf) =	vpush v5, $0xF;
	_ =	sdelay $0xe  }
0x68: {  	s28 =	spop (v2sf)  }
0x69: {  	s24 =	sxor.u32 $0x80000000, s28  }
0x6a: {  	v5 =	vmov s24  }
0x6b: {  	v6 =	vmov s19;
	s19 =	sadd.s32 $0x1, s19  }
0x6c: {  	p1 =	sne.s32 s19, $0x28  }
.Ltmp6:
0x6d: {  	_ = 	snop;
	(pc) =	sbr.rel @p1 .LBB2_7-.Ltmp6, $4  }
0x6e: {  	_ = 	snop  }
0x6f: {  	v7 =	vmov s26;
	s23 =	ssub.s32 s26, s4;
	[tilespmem:v5+s18+$0x0] =	vst.idx.msk $0x1, v1  }
0x70: {  	v5 =	vmov s23;
	[tilespmem:v6+s20+$0x0] =	vst.idx.msk $0x1, v7  }
0x71: {  	[tilespmem:v6+s21+$0x0] =	vst.idx.msk $0x1, v5  }
0x72: {  	[hbm4b:s9+s3] =	stream.linear.scatter [tilespmem:s21], [sflag:$0x2], $0x80, $0x38;
	[tilespmem:$0xA950] =	vst v63  }
0x73: {  	_ =	swait.ge [sflag:s15], $0x80  }
0x74: {  	[sflag:s15] =	ssyncset.done $0x0  }
0x75: {  	[sflag:s15] =	ssyncadd.s32 $0xFFFFFF80  }
0x76: {  	v5 =	vld [tilespmem:$0x850];
	_ =	sdelay $0x4  }
0x77: {  	v6 =	vshll.u32 v5, $0x3  }
0x78: {  	v5 =	vand.u32 $0x7, v5;
	v6 =	vand.u32 $0xFFFFFFC0, v6  }
0x79: {  	v5 =	vor.u32 v5, v6  }
0x7a: {  	v6 =	vperm.xlane v5, v2;
	_ =	sdelay $0x1  }
0x7b: {  	v6 =	vadd.s32 v3, v6;
	_ =	sdelay $0x4  }
0x7c: {  	[tilespmem:s22], [sflag:$0x1] =	stream.indirect_vreg.gather [hbm4b:s0+s3], $0x80, v6, vm0, $0xb8;
	[tilespmem:$0xA950] =	vst v63  }
0x7d: {  	s19 =	simm.s32 $0x1150;
	v5 =	vperm.xlane v5, v4  }
0x7e: {  	[tilespmem:s19], [sflag:$0x1] =	stream.indirect_vreg.gather [hbm4b:s10+s3], $0x80, v6, vm0, $0xb8;
	[tilespmem:$0xA950] =	vst v63  }
0x7f: {  	s23 =	simm.s32 $0x1950;
	v5 =	vadd.s32 v3, v5  }
0x80: {  	[tilespmem:s23], [sflag:$0x1] =	stream.indirect_vreg.gather [hbm4b:s11+s3], $0x80, v6, vm0, $0xb8;
	[tilespmem:$0xA950] =	vst v63  }
0x81: {  	s24 =	simm.s32 $0x2150  }
0x82: {  	[tilespmem:s24], [sflag:$0x1] =	stream.indirect_vreg.gather [hbm4b:s12+s3], $0x80, v6, vm0, $0xb8;
	[tilespmem:$0xA950] =	vst v63  }
0x83: {  	s25 =	simm.s32 $0x2950  }
0x84: {  	[tilespmem:s25], [sflag:$0x1] =	stream.indirect_vreg.gather [hbm4b:s0+s3], $0x80, v5, vm0, $0xb8;
	[tilespmem:$0xA950] =	vst v63  }
0x85: {  	s26 =	simm.s32 $0x3150  }
0x86: {  	[tilespmem:s26], [sflag:$0x1] =	stream.indirect_vreg.gather [hbm4b:s10+s3], $0x80, v5, vm0, $0xb8;
	[tilespmem:$0xA950] =	vst v63  }
0x87: {  	s28 =	simm.s32 $0x3950  }
0x88: {  	[tilespmem:s28], [sflag:$0x1] =	stream.indirect_vreg.gather [hbm4b:s11+s3], $0x80, v5, vm0, $0xb8;
	[tilespmem:$0xA950] =	vst v63  }
0x89: {  	s23 =	simm.s32 $0x4150  }
0x8a: {  	[tilespmem:s23], [sflag:$0x1] =	stream.indirect_vreg.gather [hbm4b:s12+s3], $0x80, v5, vm0, $0xb8;
	[tilespmem:$0xA950] =	vst v63  }
0x8b: {  	v5 =	vld [tilespmem:$0x860];
	_ =	sdelay $0x4  }
0x8c: {  	v6 =	vshll.u32 v5, $0x3  }
0x8d: {  	v5 =	vand.u32 $0x7, v5;
	v6 =	vand.u32 $0xFFFFFFC0, v6  }
0x8e: {  	v5 =	vor.u32 v5, v6  }
0x8f: {  	v6 =	vperm.xlane v5, v2;
	_ =	sdelay $0x1  }
0x90: {  	v6 =	vadd.s32 v3, v6;
	_ =	sdelay $0x3  }
0x91: {  	s24 =	simm.s32 $0x4950  }
0x92: {  	[tilespmem:s24], [sflag:$0x1] =	stream.indirect_vreg.gather [hbm4b:s0+s3], $0x80, v6, vm0, $0xb8;
	[tilespmem:$0xA950] =	vst v63  }
0x93: {  	s25 =	simm.s32 $0x5150;
	v5 =	vperm.xlane v5, v4  }
0x94: {  	[tilespmem:s25], [sflag:$0x1] =	stream.indirect_vreg.gather [hbm4b:s10+s3], $0x80, v6, vm0, $0xb8;
	[tilespmem:$0xA950] =	vst v63  }
0x95: {  	s26 =	simm.s32 $0x5950;
	v5 =	vadd.s32 v3, v5  }
0x96: {  	[tilespmem:s26], [sflag:$0x1] =	stream.indirect_vreg.gather [hbm4b:s11+s3], $0x80, v6, vm0, $0xb8;
	[tilespmem:$0xA950] =	vst v63  }
0x97: {  	s28 =	simm.s32 $0x6150  }
0x98: {  	[tilespmem:s28], [sflag:$0x1] =	stream.indirect_vreg.gather [hbm4b:s12+s3], $0x80, v6, vm0, $0xb8;
	[tilespmem:$0xA950] =	vst v63  }
0x99: {  	s23 =	simm.s32 $0x6950  }
0x9a: {  	[tilespmem:s23], [sflag:$0x1] =	stream.indirect_vreg.gather [hbm4b:s0+s3], $0x80, v5, vm0, $0xb8;
	[tilespmem:$0xA950] =	vst v63  }
0x9b: {  	s24 =	simm.s32 $0x7150  }
0x9c: {  	[tilespmem:s24], [sflag:$0x1] =	stream.indirect_vreg.gather [hbm4b:s10+s3], $0x80, v5, vm0, $0xb8;
	[tilespmem:$0xA950] =	vst v63  }
0x9d: {  	s25 =	simm.s32 $0x7950  }
0x9e: {  	[tilespmem:s25], [sflag:$0x1] =	stream.indirect_vreg.gather [hbm4b:s11+s3], $0x80, v5, vm0, $0xb8;
	[tilespmem:$0xA950] =	vst v63  }
0x9f: {  	s26 =	simm.s32 $0x8150  }
0xa0: {  	[tilespmem:s26], [sflag:$0x1] =	stream.indirect_vreg.gather [hbm4b:s12+s3], $0x80, v5, vm0, $0xb8;
	[tilespmem:$0xA950] =	vst v63  }
0xa1: {  	v5 =	vld.msk [tilespmem:$0x870], $0xff;
	_ =	sdelay $0x4  }
0xa2: {  	v6 =	vshll.u32 v5, $0x3  }
0xa3: {  	v5 =	vand.u32 $0x7, v5;
	v6 =	vand.u32 $0xFFFFFFC0, v6  }
0xa4: {  	v5 =	vor.u32 v5, v6  }
0xa5: {  	v5 =	vperm.xlane v5, v2;
	_ =	sdelay $0x1  }
0xa6: {  	v5 =	vadd.s32 v3, v5;
	_ =	sdelay $0x3  }
0xa7: {  	s28 =	simm.s32 $0x8950  }
0xa8: {  	[tilespmem:s28], [sflag:$0x1] =	stream.indirect_vreg.gather [hbm4b:s0+s3], $0x80, v5, vm0, $0xb8;
	[tilespmem:$0xA950] =	vst v63  }
0xa9: {  	_ = 	snop  }
0xaa: {  	[tilespmem:s29], [sflag:$0x1] =	stream.indirect_vreg.gather [hbm4b:s10+s3], $0x80, v5, vm0, $0xb8;
	[tilespmem:$0xA950] =	vst v63  }
0xab: {  	_ = 	snop  }
0xac: {  	[tilespmem:s30], [sflag:$0x1] =	stream.indirect_vreg.gather [hbm4b:s11+s3], $0x80, v5, vm0, $0xb8;
	[tilespmem:$0xA950] =	vst v63  }
0xad: {  	_ = 	snop  }
0xae: {  	[tilespmem:s31], [sflag:$0x1] =	stream.indirect_vreg.gather [hbm4b:s12+s3], $0x80, v5, vm0, $0xb8;
	[tilespmem:$0xA950] =	vst v63  }
0xaf: {  	_ =	swait.ge [sflag:s2], $0xA000  }
0xb0: {  	[sflag:s2] =	ssyncset.done $0x0  }
.Ltmp7:
0xb1: {  	[sflag:s2] =	ssyncadd.s32 $0xFFFF6000;
	(pc) =	sbr.rel .LBB2_11-.Ltmp7, $4  }
0xb2: {  	[hbm4b:s13+s3] =	stream.linear.scatter [tilespmem:s22], [sflag:$0x2], $0xA000, $0x38;
	[tilespmem:$0xA950] =	vst v63  }
0xb3: {  	_ =	swait.ge [sflag:s15], $0xA000  }
0xb4: {  	[sflag:s15] =	ssyncset.done $0x0  }
0xb5: {  	[sflag:s15] =	ssyncadd.s32 $0xFFFF6000  }
.LBB2_12:
0xb6: {  	_ =	sfence.sel $0x180000  }
0xb7: {  	[bflag:$0x0] =	sbarrier.arrive $0xFFFF  }
0xb8: {  	_ =	strace $0x90000047  }
0xb9: {  	s0 =	stileid.u32;
	[bflag:$0x2] =	sbarrier.arrive $0xFFFF  }
0xba: {  	p0 =	sne.s32 s0, $0x0;
	s0 =	rddreg [dreg:$0x6]  }
0xbb: {  	s0 =	sadd.s32 @!p0 $0x100000, s0  }
0xbc: {  	[sflag:s0] =	ssyncadd.tile.s32 @!p0 $0x1;
	_ =	shalt  }
.Lfunc_end2:
_tile_overlayer_lowered:
.L_overlay_start_2:
0xbd: {  	(tag) =	ssettag $0x2  }
0xbe: {  	s0 =	rddreg [dreg:$0x0];
	s2 =	stileid.u32  }
0xbf: {  	s1 =	rddreg [dreg:$0x1];
	p0 =	sne.s32 s2, $0x0  }
0xc0: {  	s3 =	rddreg [dreg:$0x2];
	[bflag:$0x3] =	sbarrier.arrive $0xFFFF;
	s2 =	simm.s32 @!p0 $0x1C02  }
0xc1: {  	[timem:s3], [sflag:s2] =	dma.local @!p0 [hbm:s0], s1  }
0xc2: {  	s0 =	simm.s32 @!p0 $0x2  }
0xc3: {  	_ =	swait.ge @!p0 [sflag:s0], s1  }
0xc4: {  	s1 =	ssub.s32 @!p0 $0x0, s1;
	[sflag:s0] =	ssyncset.done @!p0 $0x0  }
0xc5: {  	[sflag:s0] =	ssyncadd.s32 @!p0 s1  }
0xc6: {  	[bflag:$0x3] =	sbarrier.arrive $0xFFFF  }
0xc7: {  	_ =	shalt  }

</sc_bundles>
